<compile_context>
chip_gen: v7x
topology: tpu7x:2x2x1
jax: 0.10.2.dev20260603
libtpu: 0.0.44.dev20260713+nightly
codegen_flags: <defaults>
</compile_context>

<pallas_src>
import functools

import jax
import jax.numpy as jnp
from jax import lax
from jax.experimental import pallas as pl
from jax.experimental.pallas import tpu as pltpu
from jax.experimental.pallas import tpu_sc as plsc

_NUM_EMBED = 8192
_HEIGHT = 32
_WIDTH = 32
_D = 512
_B = 128
_HW = _HEIGHT * _WIDTH
_ROWS = _B * _HW

_NC = 2
_NS = 16
_NW = _NC * _NS
_RPW = _ROWS // _NW
_CH = 64
_NCH = _RPW // _CH
_PSTAGE = _HW // _NS


def _pos_body(h_ref, w_ref, o_ref):
    o_ref[...] = h_ref[...][:, None, :] + w_ref[...][None, :, :]


def _build_pos(height_emb, width_emb):
    pos = pl.pallas_call(
        _pos_body,
        out_shape=jax.ShapeDtypeStruct((_HEIGHT, _WIDTH, _D), jnp.float32),
    )(height_emb, width_emb)
    return pos.reshape(_HW, _D)


def _sc_body(idx_hbm, emb_hbm, pos_hbm, out_hbm, idx_v, buf, pbuf, pos_sh, sem):
    c = lax.axis_index("c")
    s = lax.axis_index("s")
    wid = s * _NC + c
    pltpu.sync_copy(pos_hbm.at[pl.ds(s * _PSTAGE, _PSTAGE)],
                    pos_sh.at[pl.ds(s * _PSTAGE, _PSTAGE)])
    base = wid * _RPW
    pltpu.sync_copy(idx_hbm.at[pl.ds(base, _RPW)], idx_v)
    plsc.subcore_barrier()

    def chunk(ci, carry):
        r0 = ci * _CH
        p0 = lax.rem(r0, _HW)
        pltpu.sync_copy(pos_sh.at[pl.ds(p0, _CH)], pbuf)
        pltpu.async_copy(emb_hbm.at[idx_v.at[pl.ds(r0, _CH)]], buf, sem).wait()

        def addrow(r, c2):
            for j in range(_D // 16):
                sl = pl.ds(j * 16, 16)
                plsc.addupdate(buf.at[r, sl], pbuf[r, sl])
            return c2

        lax.fori_loop(0, _CH, addrow, 0)
        pltpu.sync_copy(buf, out_hbm.at[pl.ds(base + r0, _CH)])
        return carry

    lax.fori_loop(0, _NCH, chunk, 0)


@functools.partial(jax.jit, static_argnames=())
def _lookup(idx_flat, emb, pos):
    mesh = plsc.VectorSubcoreMesh(core_axis_name="c", subcore_axis_name="s")
    f = pl.kernel(
        _sc_body,
        out_type=jax.ShapeDtypeStruct((_ROWS, _D), jnp.float32),
        mesh=mesh,
        scratch_types=[
            pltpu.VMEM((_RPW,), jnp.int32),
            pltpu.VMEM((_CH, _D), jnp.float32),
            pltpu.VMEM((_CH, _D), jnp.float32),
            pltpu.VMEM_SHARED((_HW, _D), jnp.float32),
            pltpu.SemaphoreType.DMA,
        ],
    )
    return f(idx_flat, emb, pos)


def kernel(index, emb, height_emb, width_emb):
    pos = _build_pos(height_emb, width_emb)
    out = _lookup(index.reshape(_ROWS), emb, pos)
    return out.reshape(_B, _HW, _D)

# --- scband reference (transcript-rebuilt; emitter-appended) ---
"""Pipeline reference for scband-vqdiffusion-image-embeddings-3676492005755 (READ-ONLY COPY).

The authoritative reference and input builder live on the scoring server;
editing this copy changes nothing except your own understanding.
"""

import jax, jax.numpy as jnp
import numpy as np

NUM_EMBED = 8192
HEIGHT = 32
WIDTH = 32
EMBED_DIM = 512
BATCH = 128


def setup_inputs(seed: int = 0) -> dict:
    key = jax.random.key(seed)
    k1, k2, k3, k4 = jax.random.split(key, 4)
    index = jax.random.randint(k1, (BATCH, HEIGHT * WIDTH), 0, NUM_EMBED, dtype=jnp.int32)
    emb = jax.random.normal(k2, (NUM_EMBED, EMBED_DIM), dtype=jnp.float32) * 0.02
    height_emb = jax.random.normal(k3, (HEIGHT, EMBED_DIM), dtype=jnp.float32) * 0.02
    width_emb = jax.random.normal(k4, (WIDTH, EMBED_DIM), dtype=jnp.float32) * 0.02
    return {"index": index, "emb": emb, "height_emb": height_emb, "width_emb": width_emb}


def reference(index, emb, height_emb, width_emb):
    # token embedding lookup: gather rows of the codebook-embedding table
    e = jnp.take(emb, index, axis=0)  # [B, H*W, D]
    # positional embeddings for height and width of the latent grid
    h_idx = jnp.arange(HEIGHT).reshape(1, HEIGHT)
    w_idx = jnp.arange(WIDTH).reshape(1, WIDTH)
    h = jnp.take(height_emb, h_idx, axis=0)  # [1, H, D]
    h = h[:, :, None, :]  # [1, H, 1, D]
    w = jnp.take(width_emb, w_idx, axis=0)  # [1, W, D]
    w = w[:, None, :, :]  # [1, 1, W, D]
    pos_emb = h + w  # [1, H, W, D]
    pos_emb = pos_emb.reshape(1, HEIGHT * WIDTH, -1)
    e = e + pos_emb[:, : e.shape[1], :]
    return e

if __name__ == "__main__":
    import jax
    _d = setup_inputs()
    print(jax.jit(kernel)(*tuple(_d.values())))

</pallas_src>

<mosaic_0001>
#map = affine_map<(d0, d1) -> (0)>
#map1 = affine_map<(d0, d1) -> (0, 0)>
module attributes {stable_mosaic.version = 14 : i64} {
  func.func @_sc_body(%arg0: i32, %arg1: i32, %arg2: memref<131072xi32, #tpu.memory_space<hbm>>, %arg3: memref<8192x512xf32, #tpu.memory_space<hbm>>, %arg4: memref<1024x512xf32, #tpu.memory_space<hbm>>, %arg5: memref<131072x512xf32, #tpu.memory_space<hbm>>, %arg6: memref<4096xi32, #tpu.memory_space<vmem>>, %arg7: memref<64x512xf32, #tpu.memory_space<vmem>>, %arg8: memref<64x512xf32, #tpu.memory_space<vmem>>, %arg9: memref<1024x512xf32, #tpu.memory_space<vmem_shared>>, %arg10: memref<!tpu.dma_semaphore, #tpu.memory_space<semaphore_mem>>) attributes {dimension_semantics = [#tpu.dimension_semantics<core_parallel>, #tpu.dimension_semantics<subcore_parallel>], iteration_bounds = array<i64: 2, 16>, scalar_prefetch = 0 : i64, scratch_operands = 5 : i64, tpu.core_type = #tpu.core_type<sc_vector_subcore>, window_params = [{transform_indices = #map}, {transform_indices = #map1}, {transform_indices = #map1}, {transform_indices = #map1}]} {
    %mul3A = arith.constant 2 : i32
    %mul3A_0 = arith.muli %arg1, %mul3A : i32
    %add3A = arith.addi %mul3A_0, %arg0 : i32
    %mul3A_1 = arith.constant 64 : i32
    %mul3A_2 = arith.muli %arg1, %mul3A_1 : i32
    %mul3A_3 = arith.constant 64 : i32
    %mul3A_4 = arith.muli %arg1, %mul3A_3 : i32
    "tpu.region"() ({
      %run_scoped3A = tpu.sem_alloc : memref<!tpu.dma_semaphore, #tpu.memory_space<semaphore_mem>>
      %dma_start3A = arith.constant 0 : i32
      %dma_start3A_12 = tpu.memref_slice %arg9[%mul3A_4, %dma_start3A] : memref<1024x512xf32, #tpu.memory_space<vmem_shared>> -> memref<64x512xf32, #tpu.memory_space<vmem_shared>>
      %dma_start3A_13 = arith.constant 0 : i32
      %dma_start3A_14 = tpu.memref_slice %arg4[%mul3A_2, %dma_start3A_13] : memref<1024x512xf32, #tpu.memory_space<hbm>> -> memref<64x512xf32, #tpu.memory_space<hbm>>
      tpu.enqueue_dma source(%dma_start3A_14 : memref<64x512xf32, #tpu.memory_space<hbm>>) target(%dma_start3A_12 : memref<64x512xf32, #tpu.memory_space<vmem_shared>>) target_semaphore(%run_scoped3A : memref<!tpu.dma_semaphore, #tpu.memory_space<semaphore_mem>>)
      %dma_wait3A = arith.constant 0 : i32
      %dma_wait3A_15 = tpu.memref_slice %arg9[%mul3A_4, %dma_wait3A] : memref<1024x512xf32, #tpu.memory_space<vmem_shared>> -> memref<64x512xf32, #tpu.memory_space<vmem_shared>>
      %dma_wait3A_16 = arith.constant 0 : i32
      %dma_wait3A_17 = tpu.memref_slice %arg4[%mul3A_2, %dma_wait3A_16] : memref<1024x512xf32, #tpu.memory_space<hbm>> -> memref<64x512xf32, #tpu.memory_space<hbm>>
      tpu.wait_dma2 semaphore(%run_scoped3A : memref<!tpu.dma_semaphore, #tpu.memory_space<semaphore_mem>>) src(%dma_wait3A_17 : memref<64x512xf32, #tpu.memory_space<hbm>>) dst(%dma_wait3A_15 : memref<64x512xf32, #tpu.memory_space<vmem_shared>>)
      tpu.yield
    }) : () -> ()
    %mul3A_5 = arith.constant 4096 : i32
    %mul3A_6 = arith.muli %add3A, %mul3A_5 : i32
    "tpu.region"() ({
      %run_scoped3A = tpu.sem_alloc : memref<!tpu.dma_semaphore, #tpu.memory_space<semaphore_mem>>
      %dma_start3A = tpu.memref_slice %arg2[%mul3A_6] : memref<131072xi32, #tpu.memory_space<hbm>> -> memref<4096xi32, #tpu.memory_space<hbm>>
      %dma_start3A_12 = tpu.memref_slice %arg2[%mul3A_6] : memref<131072xi32, #tpu.memory_space<hbm>> -> memref<4096xi32, #tpu.memory_space<hbm>>
      tpu.enqueue_dma source(%dma_start3A_12 : memref<4096xi32, #tpu.memory_space<hbm>>) target(%arg6 : memref<4096xi32, #tpu.memory_space<vmem>>) target_semaphore(%run_scoped3A : memref<!tpu.dma_semaphore, #tpu.memory_space<semaphore_mem>>)
      %dma_wait3A = tpu.memref_slice %arg2[%mul3A_6] : memref<131072xi32, #tpu.memory_space<hbm>> -> memref<4096xi32, #tpu.memory_space<hbm>>
      %dma_wait3A_13 = tpu.memref_slice %arg2[%mul3A_6] : memref<131072xi32, #tpu.memory_space<hbm>> -> memref<4096xi32, #tpu.memory_space<hbm>>
      tpu.wait_dma2 semaphore(%run_scoped3A : memref<!tpu.dma_semaphore, #tpu.memory_space<semaphore_mem>>) src(%dma_wait3A_13 : memref<4096xi32, #tpu.memory_space<hbm>>) dst(%arg6 : memref<4096xi32, #tpu.memory_space<vmem>>)
      tpu.yield
    }) : () -> ()
    %barrier3A = arith.constant 0 : index
    tpu.barrier barrier_id(%barrier3A)
    %scan3A = arith.constant 0 : i32
    %scan3A_7 = arith.constant 0 : i32
    %scan3A_8 = arith.constant 64 : i32
    %scan3A_9 = arith.addi %scan3A_7, %scan3A_8 : i32
    %scan3A_10 = arith.constant 1 : i32
    scf.for %scan3A_12 = %scan3A_7 to %scan3A_9 step %scan3A_10  : i32 {
      %mul3A_13 = arith.constant 64 : i32
      %mul3A_14 = arith.muli %scan3A_12, %mul3A_13 : i32
      %rem3A = arith.constant 1024 : i32
      %rem3A_15 = arith.remsi %mul3A_14, %rem3A : i32
      "tpu.region"() ({
        %run_scoped3A = tpu.sem_alloc : memref<!tpu.dma_semaphore, #tpu.memory_space<semaphore_mem>>
        %dma_start3A_29 = arith.constant 0 : i32
        %dma_start3A_30 = tpu.memref_slice %arg9[%rem3A_15, %dma_start3A_29] : memref<1024x512xf32, #tpu.memory_space<vmem_shared>> -> memref<64x512xf32, #tpu.memory_space<vmem_shared>>
        %dma_start3A_31 = arith.constant 0 : i32
        %dma_start3A_32 = tpu.memref_slice %arg9[%rem3A_15, %dma_start3A_31] : memref<1024x512xf32, #tpu.memory_space<vmem_shared>> -> memref<64x512xf32, #tpu.memory_space<vmem_shared>>
        tpu.enqueue_dma source(%dma_start3A_32 : memref<64x512xf32, #tpu.memory_space<vmem_shared>>) target(%arg8 : memref<64x512xf32, #tpu.memory_space<vmem>>) target_semaphore(%run_scoped3A : memref<!tpu.dma_semaphore, #tpu.memory_space<semaphore_mem>>)
        %dma_wait3A_33 = arith.constant 0 : i32
        %dma_wait3A_34 = tpu.memref_slice %arg9[%rem3A_15, %dma_wait3A_33] : memref<1024x512xf32, #tpu.memory_space<vmem_shared>> -> memref<64x512xf32, #tpu.memory_space<vmem_shared>>
        %dma_wait3A_35 = arith.constant 0 : i32
        %dma_wait3A_36 = tpu.memref_slice %arg9[%rem3A_15, %dma_wait3A_35] : memref<1024x512xf32, #tpu.memory_space<vmem_shared>> -> memref<64x512xf32, #tpu.memory_space<vmem_shared>>
        tpu.wait_dma2 semaphore(%run_scoped3A : memref<!tpu.dma_semaphore, #tpu.memory_space<semaphore_mem>>) src(%dma_wait3A_36 : memref<64x512xf32, #tpu.memory_space<vmem_shared>>) dst(%arg8 : memref<64x512xf32, #tpu.memory_space<vmem>>)
        tpu.yield
      }) : () -> ()
      %dma_start3A = tpu.memref_slice %arg6[%mul3A_14] : memref<4096xi32, #tpu.memory_space<vmem>> -> memref<64xi32, #tpu.memory_space<vmem>>
      %dma_start3A_16 = arith.constant 0 : i32
      %dma_start3A_17 = arith.constant 0 : i32
      %dma_start3A_18 = tpu.memref_slice %arg3[%dma_start3A_16, %dma_start3A_17] : memref<8192x512xf32, #tpu.memory_space<hbm>> -> memref<8192x512xf32, #tpu.memory_space<hbm>>
      tpu.enqueue_indirect_dma source(%dma_start3A_18 : memref<8192x512xf32, #tpu.memory_space<hbm>>) target(%arg7 : memref<64x512xf32, #tpu.memory_space<vmem>>) offsets(%dma_start3A : memref<64xi32, #tpu.memory_space<vmem>>) semaphore(%arg10 : memref<!tpu.dma_semaphore, #tpu.memory_space<semaphore_mem>>)
      %dma_wait3A = tpu.memref_slice %arg6[%mul3A_14] : memref<4096xi32, #tpu.memory_space<vmem>> -> memref<64xi32, #tpu.memory_space<vmem>>
      %dma_wait3A_19 = arith.constant 0 : i32
      %dma_wait3A_20 = arith.constant 0 : i32
      %dma_wait3A_21 = tpu.memref_slice %arg3[%dma_wait3A_19, %dma_wait3A_20] : memref<8192x512xf32, #tpu.memory_space<hbm>> -> memref<8192x512xf32, #tpu.memory_space<hbm>>
      tpu.wait_indirect_dma semaphore(%arg10 : memref<!tpu.dma_semaphore, #tpu.memory_space<semaphore_mem>>) src(%dma_wait3A_21 : memref<8192x512xf32, #tpu.memory_space<hbm>>) dst(%arg7 : memref<64x512xf32, #tpu.memory_space<vmem>>)
      %scan3A_22 = arith.constant 0 : i32
      %scan3A_23 = arith.constant 0 : i32
      %scan3A_24 = arith.constant 64 : i32
      %scan3A_25 = arith.addi %scan3A_23, %scan3A_24 : i32
      %scan3A_26 = arith.constant 1 : i32
      scf.for %scan3A_29 = %scan3A_23 to %scan3A_25 step %scan3A_26  : i32 {
        %get3A = arith.index_cast %scan3A_29 : i32 to index
        %get3A_30 = arith.constant 0 : index
        %get3A_31 = tpu.vector_load %arg8[%get3A, %get3A_30] {strides = array<i32>} : memref<64x512xf32, #tpu.memory_space<vmem>>, vector<1x16xf32>,
        %get3A_32 = vector.shape_cast %get3A_31 : vector<1x16xf32> to vector<16xf32>
        %swap3A = arith.index_cast %scan3A_29 : i32 to index
        %swap3A_33 = arith.constant 0 : index
        %swap3A_34 = tpu.vector_load %arg7[%swap3A, %swap3A_33] {strides = array<i32>} : memref<64x512xf32, #tpu.memory_space<vmem>>, vector<1x16xf32>,
        %swap3A_35 = vector.shape_cast %swap3A_34 : vector<1x16xf32> to vector<16xf32>
        %swap3A_36 = vector.shape_cast %get3A_32 : vector<16xf32> to vector<1x16xf32>
        tpu.vector_store %arg7[%swap3A, %swap3A_33], %swap3A_36 {add = true, strides = array<i32>} : memref<64x512xf32, #tpu.memory_space<vmem>>, vector<1x16xf32>,
        %get3A_37 = arith.index_cast %scan3A_29 : i32 to index
        %get3A_38 = arith.constant 16 : index
        %get3A_39 = tpu.vector_load %arg8[%get3A_37, %get3A_38] {strides = array<i32>} : memref<64x512xf32, #tpu.memory_space<vmem>>, vector<1x16xf32>,
        %get3A_40 = vector.shape_cast %get3A_39 : vector<1x16xf32> to vector<16xf32>
        %swap3A_41 = arith.index_cast %scan3A_29 : i32 to index
        %swap3A_42 = arith.constant 16 : index
        %swap3A_43 = tpu.vector_load %arg7[%swap3A_41, %swap3A_42] {strides = array<i32>} : memref<64x512xf32, #tpu.memory_space<vmem>>, vector<1x16xf32>,
        %swap3A_44 = vector.shape_cast %swap3A_43 : vector<1x16xf32> to vector<16xf32>
        %swap3A_45 = vector.shape_cast %get3A_40 : vector<16xf32> to vector<1x16xf32>
        tpu.vector_store %arg7[%swap3A_41, %swap3A_42], %swap3A_45 {add = true, strides = array<i32>} : memref<64x512xf32, #tpu.memory_space<vmem>>, vector<1x16xf32>,
        %get3A_46 = arith.index_cast %scan3A_29 : i32 to index
        %get3A_47 = arith.constant 32 : index
        %get3A_48 = tpu.vector_load %arg8[%get3A_46, %get3A_47] {strides = array<i32>} : memref<64x512xf32, #tpu.memory_space<vmem>>, vector<1x16xf32>,
        %get3A_49 = vector.shape_cast %get3A_48 : vector<1x16xf32> to vector<16xf32>
        %swap3A_50 = arith.index_cast %scan3A_29 : i32 to index
        %swap3A_51 = arith.constant 32 : index
        %swap3A_52 = tpu.vector_load %arg7[%swap3A_50, %swap3A_51] {strides = array<i32>} : memref<64x512xf32, #tpu.memory_space<vmem>>, vector<1x16xf32>,
        %swap3A_53 = vector.shape_cast %swap3A_52 : vector<1x16xf32> to vector<16xf32>
        %swap3A_54 = vector.shape_cast %get3A_49 : vector<16xf32> to vector<1x16xf32>
        tpu.vector_store %arg7[%swap3A_50, %swap3A_51], %swap3A_54 {add = true, strides = array<i32>} : memref<64x512xf32, #tpu.memory_space<vmem>>, vector<1x16xf32>,
        %get3A_55 = arith.index_cast %scan3A_29 : i32 to index
        %get3A_56 = arith.constant 48 : index
        %get3A_57 = tpu.vector_load %arg8[%get3A_55, %get3A_56] {strides = array<i32>} : memref<64x512xf32, #tpu.memory_space<vmem>>, vector<1x16xf32>,
        %get3A_58 = vector.shape_cast %get3A_57 : vector<1x16xf32> to vector<16xf32>
        %swap3A_59 = arith.index_cast %scan3A_29 : i32 to index
        %swap3A_60 = arith.constant 48 : index
        %swap3A_61 = tpu.vector_load %arg7[%swap3A_59, %swap3A_60] {strides = array<i32>} : memref<64x512xf32, #tpu.memory_space<vmem>>, vector<1x16xf32>,
        %swap3A_62 = vector.shape_cast %swap3A_61 : vector<1x16xf32> to vector<16xf32>
        %swap3A_63 = vector.shape_cast %get3A_58 : vector<16xf32> to vector<1x16xf32>
        tpu.vector_store %arg7[%swap3A_59, %swap3A_60], %swap3A_63 {add = true, strides = array<i32>} : memref<64x512xf32, #tpu.memory_space<vmem>>, vector<1x16xf32>,
        %get3A_64 = arith.index_cast %scan3A_29 : i32 to index
        %get3A_65 = arith.constant 64 : index
        %get3A_66 = tpu.vector_load %arg8[%get3A_64, %get3A_65] {strides = array<i32>} : memref<64x512xf32, #tpu.memory_space<vmem>>, vector<1x16xf32>,
        %get3A_67 = vector.shape_cast %get3A_66 : vector<1x16xf32> to vector<16xf32>
        %swap3A_68 = arith.index_cast %scan3A_29 : i32 to index
        %swap3A_69 = arith.constant 64 : index
        %swap3A_70 = tpu.vector_load %arg7[%swap3A_68, %swap3A_69] {strides = array<i32>} : memref<64x512xf32, #tpu.memory_space<vmem>>, vector<1x16xf32>,
        %swap3A_71 = vector.shape_cast %swap3A_70 : vector<1x16xf32> to vector<16xf32>
        %swap3A_72 = vector.shape_cast %get3A_67 : vector<16xf32> to vector<1x16xf32>
        tpu.vector_store %arg7[%swap3A_68, %swap3A_69], %swap3A_72 {add = true, strides = array<i32>} : memref<64x512xf32, #tpu.memory_space<vmem>>, vector<1x16xf32>,
        %get3A_73 = arith.index_cast %scan3A_29 : i32 to index
        %get3A_74 = arith.constant 80 : index
        %get3A_75 = tpu.vector_load %arg8[%get3A_73, %get3A_74] {strides = array<i32>} : memref<64x512xf32, #tpu.memory_space<vmem>>, vector<1x16xf32>,
        %get3A_76 = vector.shape_cast %get3A_75 : vector<1x16xf32> to vector<16xf32>
        %swap3A_77 = arith.index_cast %scan3A_29 : i32 to index
        %swap3A_78 = arith.constant 80 : index
        %swap3A_79 = tpu.vector_load %arg7[%swap3A_77, %swap3A_78] {strides = array<i32>} : memref<64x512xf32, #tpu.memory_space<vmem>>, vector<1x16xf32>,
        %swap3A_80 = vector.shape_cast %swap3A_79 : vector<1x16xf32> to vector<16xf32>
        %swap3A_81 = vector.shape_cast %get3A_76 : vector<16xf32> to vector<1x16xf32>
        tpu.vector_store %arg7[%swap3A_77, %swap3A_78], %swap3A_81 {add = true, strides = array<i32>} : memref<64x512xf32, #tpu.memory_space<vmem>>, vector<1x16xf32>,
        %get3A_82 = arith.index_cast %scan3A_29 : i32 to index
        %get3A_83 = arith.constant 96 : index
        %get3A_84 = tpu.vector_load %arg8[%get3A_82, %get3A_83] {strides = array<i32>} : memref<64x512xf32, #tpu.memory_space<vmem>>, vector<1x16xf32>,
        %get3A_85 = vector.shape_cast %get3A_84 : vector<1x16xf32> to vector<16xf32>
        %swap3A_86 = arith.index_cast %scan3A_29 : i32 to index
        %swap3A_87 = arith.constant 96 : index
        %swap3A_88 = tpu.vector_load %arg7[%swap3A_86, %swap3A_87] {strides = array<i32>} : memref<64x512xf32, #tpu.memory_space<vmem>>, vector<1x16xf32>,
        %swap3A_89 = vector.shape_cast %swap3A_88 : vector<1x16xf32> to vector<16xf32>
        %swap3A_90 = vector.shape_cast %get3A_85 : vector<16xf32> to vector<1x16xf32>
        tpu.vector_store %arg7[%swap3A_86, %swap3A_87], %swap3A_90 {add = true, strides = array<i32>} : memref<64x512xf32, #tpu.memory_space<vmem>>, vector<1x16xf32>,
        %get3A_91 = arith.index_cast %scan3A_29 : i32 to index
        %get3A_92 = arith.constant 112 : index
        %get3A_93 = tpu.vector_load %arg8[%get3A_91, %get3A_92] {strides = array<i32>} : memref<64x512xf32, #tpu.memory_space<vmem>>, vector<1x16xf32>,
        %get3A_94 = vector.shape_cast %get3A_93 : vector<1x16xf32> to vector<16xf32>
        %swap3A_95 = arith.index_cast %scan3A_29 : i32 to index
        %swap3A_96 = arith.constant 112 : index
        %swap3A_97 = tpu.vector_load %arg7[%swap3A_95, %swap3A_96] {strides = array<i32>} : memref<64x512xf32, #tpu.memory_space<vmem>>, vector<1x16xf32>,
        %swap3A_98 = vector.shape_cast %swap3A_97 : vector<1x16xf32> to vector<16xf32>
        %swap3A_99 = vector.shape_cast %get3A_94 : vector<16xf32> to vector<1x16xf32>
        tpu.vector_store %arg7[%swap3A_95, %swap3A_96], %swap3A_99 {add = true, strides = array<i32>} : memref<64x512xf32, #tpu.memory_space<vmem>>, vector<1x16xf32>,
        %get3A_100 = arith.index_cast %scan3A_29 : i32 to index
        %get3A_101 = arith.constant 128 : index
        %get3A_102 = tpu.vector_load %arg8[%get3A_100, %get3A_101] {strides = array<i32>} : memref<64x512xf32, #tpu.memory_space<vmem>>, vector<1x16xf32>,
        %get3A_103 = vector.shape_cast %get3A_102 : vector<1x16xf32> to vector<16xf32>
        %swap3A_104 = arith.index_cast %scan3A_29 : i32 to index
        %swap3A_105 = arith.constant 128 : index
        %swap3A_106 = tpu.vector_load %arg7[%swap3A_104, %swap3A_105] {strides = array<i32>} : memref<64x512xf32, #tpu.memory_space<vmem>>, vector<1x16xf32>,
        %swap3A_107 = vector.shape_cast %swap3A_106 : vector<1x16xf32> to vector<16xf32>
        %swap3A_108 = vector.shape_cast %get3A_103 : vector<16xf32> to vector<1x16xf32>
        tpu.vector_store %arg7[%swap3A_104, %swap3A_105], %swap3A_108 {add = true, strides = array<i32>} : memref<64x512xf32, #tpu.memory_space<vmem>>, vector<1x16xf32>,
        %get3A_109 = arith.index_cast %scan3A_29 : i32 to index
        %get3A_110 = arith.constant 144 : index
        %get3A_111 = tpu.vector_load %arg8[%get3A_109, %get3A_110] {strides = array<i32>} : memref<64x512xf32, #tpu.memory_space<vmem>>, vector<1x16xf32>,
        %get3A_112 = vector.shape_cast %get3A_111 : vector<1x16xf32> to vector<16xf32>
        %swap3A_113 = arith.index_cast %scan3A_29 : i32 to index
        %swap3A_114 = arith.constant 144 : index
        %swap3A_115 = tpu.vector_load %arg7[%swap3A_113, %swap3A_114] {strides = array<i32>} : memref<64x512xf32, #tpu.memory_space<vmem>>, vector<1x16xf32>,
        %swap3A_116 = vector.shape_cast %swap3A_115 : vector<1x16xf32> to vector<16xf32>
        %swap3A_117 = vector.shape_cast %get3A_112 : vector<16xf32> to vector<1x16xf32>
        tpu.vector_store %arg7[%swap3A_113, %swap3A_114], %swap3A_117 {add = true, strides = array<i32>} : memref<64x512xf32, #tpu.memory_space<vmem>>, vector<1x16xf32>,
        %get3A_118 = arith.index_cast %scan3A_29 : i32 to index
        %get3A_119 = arith.constant 160 : index
        %get3A_120 = tpu.vector_load %arg8[%get3A_118, %get3A_119] {strides = array<i32>} : memref<64x512xf32, #tpu.memory_space<vmem>>, vector<1x16xf32>,
        %get3A_121 = vector.shape_cast %get3A_120 : vector<1x16xf32> to vector<16xf32>
        %swap3A_122 = arith.index_cast %scan3A_29 : i32 to index
        %swap3A_123 = arith.constant 160 : index
        %swap3A_124 = tpu.vector_load %arg7[%swap3A_122, %swap3A_123] {strides = array<i32>} : memref<64x512xf32, #tpu.memory_space<vmem>>, vector<1x16xf32>,
        %swap3A_125 = vector.shape_cast %swap3A_124 : vector<1x16xf32> to vector<16xf32>
        %swap3A_126 = vector.shape_cast %get3A_121 : vector<16xf32> to vector<1x16xf32>
        tpu.vector_store %arg7[%swap3A_122, %swap3A_123], %swap3A_126 {add = true, strides = array<i32>} : memref<64x512xf32, #tpu.memory_space<vmem>>, vector<1x16xf32>,
        %get3A_127 = arith.index_cast %scan3A_29 : i32 to index
        %get3A_128 = arith.constant 176 : index
        %get3A_129 = tpu.vector_load %arg8[%get3A_127, %get3A_128] {strides = array<i32>} : memref<64x512xf32, #tpu.memory_space<vmem>>, vector<1x16xf32>,
        %get3A_130 = vector.shape_cast %get3A_129 : vector<1x16xf32> to vector<16xf32>
        %swap3A_131 = arith.index_cast %scan3A_29 : i32 to index
        %swap3A_132 = arith.constant 176 : index
        %swap3A_133 = tpu.vector_load %arg7[%swap3A_131, %swap3A_132] {strides = array<i32>} : memref<64x512xf32, #tpu.memory_space<vmem>>, vector<1x16xf32>,
        %swap3A_134 = vector.shape_cast %swap3A_133 : vector<1x16xf32> to vector<16xf32>
        %swap3A_135 = vector.shape_cast %get3A_130 : vector<16xf32> to vector<1x16xf32>
        tpu.vector_store %arg7[%swap3A_131, %swap3A_132], %swap3A_135 {add = true, strides = array<i32>} : memref<64x512xf32, #tpu.memory_space<vmem>>, vector<1x16xf32>,
        %get3A_136 = arith.index_cast %scan3A_29 : i32 to index
        %get3A_137 = arith.constant 192 : index
        %get3A_138 = tpu.vector_load %arg8[%get3A_136, %get3A_137] {strides = array<i32>} : memref<64x512xf32, #tpu.memory_space<vmem>>, vector<1x16xf32>,
        %get3A_139 = vector.shape_cast %get3A_138 : vector<1x16xf32> to vector<16xf32>
        %swap3A_140 = arith.index_cast %scan3A_29 : i32 to index
        %swap3A_141 = arith.constant 192 : index
        %swap3A_142 = tpu.vector_load %arg7[%swap3A_140, %swap3A_141] {strides = array<i32>} : memref<64x512xf32, #tpu.memory_space<vmem>>, vector<1x16xf32>,
        %swap3A_143 = vector.shape_cast %swap3A_142 : vector<1x16xf32> to vector<16xf32>
        %swap3A_144 = vector.shape_cast %get3A_139 : vector<16xf32> to vector<1x16xf32>
        tpu.vector_store %arg7[%swap3A_140, %swap3A_141], %swap3A_144 {add = true, strides = array<i32>} : memref<64x512xf32, #tpu.memory_space<vmem>>, vector<1x16xf32>,
        %get3A_145 = arith.index_cast %scan3A_29 : i32 to index
        %get3A_146 = arith.constant 208 : index
        %get3A_147 = tpu.vector_load %arg8[%get3A_145, %get3A_146] {strides = array<i32>} : memref<64x512xf32, #tpu.memory_space<vmem>>, vector<1x16xf32>,
        %get3A_148 = vector.shape_cast %get3A_147 : vector<1x16xf32> to vector<16xf32>
        %swap3A_149 = arith.index_cast %scan3A_29 : i32 to index
        %swap3A_150 = arith.constant 208 : index
        %swap3A_151 = tpu.vector_load %arg7[%swap3A_149, %swap3A_150] {strides = array<i32>} : memref<64x512xf32, #tpu.memory_space<vmem>>, vector<1x16xf32>,
        %swap3A_152 = vector.shape_cast %swap3A_151 : vector<1x16xf32> to vector<16xf32>
        %swap3A_153 = vector.shape_cast %get3A_148 : vector<16xf32> to vector<1x16xf32>
        tpu.vector_store %arg7[%swap3A_149, %swap3A_150], %swap3A_153 {add = true, strides = array<i32>} : memref<64x512xf32, #tpu.memory_space<vmem>>, vector<1x16xf32>,
        %get3A_154 = arith.index_cast %scan3A_29 : i32 to index
        %get3A_155 = arith.constant 224 : index
        %get3A_156 = tpu.vector_load %arg8[%get3A_154, %get3A_155] {strides = array<i32>} : memref<64x512xf32, #tpu.memory_space<vmem>>, vector<1x16xf32>,
        %get3A_157 = vector.shape_cast %get3A_156 : vector<1x16xf32> to vector<16xf32>
        %swap3A_158 = arith.index_cast %scan3A_29 : i32 to index
        %swap3A_159 = arith.constant 224 : index
        %swap3A_160 = tpu.vector_load %arg7[%swap3A_158, %swap3A_159] {strides = array<i32>} : memref<64x512xf32, #tpu.memory_space<vmem>>, vector<1x16xf32>,
        %swap3A_161 = vector.shape_cast %swap3A_160 : vector<1x16xf32> to vector<16xf32>
        %swap3A_162 = vector.shape_cast %get3A_157 : vector<16xf32> to vector<1x16xf32>
        tpu.vector_store %arg7[%swap3A_158, %swap3A_159], %swap3A_162 {add = true, strides = array<i32>} : memref<64x512xf32, #tpu.memory_space<vmem>>, vector<1x16xf32>,
        %get3A_163 = arith.index_cast %scan3A_29 : i32 to index
        %get3A_164 = arith.constant 240 : index
        %get3A_165 = tpu.vector_load %arg8[%get3A_163, %get3A_164] {strides = array<i32>} : memref<64x512xf32, #tpu.memory_space<vmem>>, vector<1x16xf32>,
        %get3A_166 = vector.shape_cast %get3A_165 : vector<1x16xf32> to vector<16xf32>
        %swap3A_167 = arith.index_cast %scan3A_29 : i32 to index
        %swap3A_168 = arith.constant 240 : index
        %swap3A_169 = tpu.vector_load %arg7[%swap3A_167, %swap3A_168] {strides = array<i32>} : memref<64x512xf32, #tpu.memory_space<vmem>>, vector<1x16xf32>,
        %swap3A_170 = vector.shape_cast %swap3A_169 : vector<1x16xf32> to vector<16xf32>
        %swap3A_171 = vector.shape_cast %get3A_166 : vector<16xf32> to vector<1x16xf32>
        tpu.vector_store %arg7[%swap3A_167, %swap3A_168], %swap3A_171 {add = true, strides = array<i32>} : memref<64x512xf32, #tpu.memory_space<vmem>>, vector<1x16xf32>,
        %get3A_172 = arith.index_cast %scan3A_29 : i32 to index
        %get3A_173 = arith.constant 256 : index
        %get3A_174 = tpu.vector_load %arg8[%get3A_172, %get3A_173] {strides = array<i32>} : memref<64x512xf32, #tpu.memory_space<vmem>>, vector<1x16xf32>,
        %get3A_175 = vector.shape_cast %get3A_174 : vector<1x16xf32> to vector<16xf32>
        %swap3A_176 = arith.index_cast %scan3A_29 : i32 to index
        %swap3A_177 = arith.constant 256 : index
        %swap3A_178 = tpu.vector_load %arg7[%swap3A_176, %swap3A_177] {strides = array<i32>} : memref<64x512xf32, #tpu.memory_space<vmem>>, vector<1x16xf32>,
        %swap3A_179 = vector.shape_cast %swap3A_178 : vector<1x16xf32> to vector<16xf32>
        %swap3A_180 = vector.shape_cast %get3A_175 : vector<16xf32> to vector<1x16xf32>
        tpu.vector_store %arg7[%swap3A_176, %swap3A_177], %swap3A_180 {add = true, strides = array<i32>} : memref<64x512xf32, #tpu.memory_space<vmem>>, vector<1x16xf32>,
        %get3A_181 = arith.index_cast %scan3A_29 : i32 to index
        %get3A_182 = arith.constant 272 : index
        %get3A_183 = tpu.vector_load %arg8[%get3A_181, %get3A_182] {strides = array<i32>} : memref<64x512xf32, #tpu.memory_space<vmem>>, vector<1x16xf32>,
        %get3A_184 = vector.shape_cast %get3A_183 : vector<1x16xf32> to vector<16xf32>
        %swap3A_185 = arith.index_cast %scan3A_29 : i32 to index
        %swap3A_186 = arith.constant 272 : index
        %swap3A_187 = tpu.vector_load %arg7[%swap3A_185, %swap3A_186] {strides = array<i32>} : memref<64x512xf32, #tpu.memory_space<vmem>>, vector<1x16xf32>,
        %swap3A_188 = vector.shape_cast %swap3A_187 : vector<1x16xf32> to vector<16xf32>
        %swap3A_189 = vector.shape_cast %get3A_184 : vector<16xf32> to vector<1x16xf32>
        tpu.vector_store %arg7[%swap3A_185, %swap3A_186], %swap3A_189 {add = true, strides = array<i32>} : memref<64x512xf32, #tpu.memory_space<vmem>>, vector<1x16xf32>,
        %get3A_190 = arith.index_cast %scan3A_29 : i32 to index
        %get3A_191 = arith.constant 288 : index
        %get3A_192 = tpu.vector_load %arg8[%get3A_190, %get3A_191] {strides = array<i32>} : memref<64x512xf32, #tpu.memory_space<vmem>>, vector<1x16xf32>,
        %get3A_193 = vector.shape_cast %get3A_192 : vector<1x16xf32> to vector<16xf32>
        %swap3A_194 = arith.index_cast %scan3A_29 : i32 to index
        %swap3A_195 = arith.constant 288 : index
        %swap3A_196 = tpu.vector_load %arg7[%swap3A_194, %swap3A_195] {strides = array<i32>} : memref<64x512xf32, #tpu.memory_space<vmem>>, vector<1x16xf32>,
        %swap3A_197 = vector.shape_cast %swap3A_196 : vector<1x16xf32> to vector<16xf32>
        %swap3A_198 = vector.shape_cast %get3A_193 : vector<16xf32> to vector<1x16xf32>
        tpu.vector_store %arg7[%swap3A_194, %swap3A_195], %swap3A_198 {add = true, strides = array<i32>} : memref<64x512xf32, #tpu.memory_space<vmem>>, vector<1x16xf32>,
        %get3A_199 = arith.index_cast %scan3A_29 : i32 to index
        %get3A_200 = arith.constant 304 : index
        %get3A_201 = tpu.vector_load %arg8[%get3A_199, %get3A_200] {strides = array<i32>} : memref<64x512xf32, #tpu.memory_space<vmem>>, vector<1x16xf32>,
        %get3A_202 = vector.shape_cast %get3A_201 : vector<1x16xf32> to vector<16xf32>
        %swap3A_203 = arith.index_cast %scan3A_29 : i32 to index
        %swap3A_204 = arith.constant 304 : index
        %swap3A_205 = tpu.vector_load %arg7[%swap3A_203, %swap3A_204] {strides = array<i32>} : memref<64x512xf32, #tpu.memory_space<vmem>>, vector<1x16xf32>,
        %swap3A_206 = vector.shape_cast %swap3A_205 : vector<1x16xf32> to vector<16xf32>
        %swap3A_207 = vector.shape_cast %get3A_202 : vector<16xf32> to vector<1x16xf32>
        tpu.vector_store %arg7[%swap3A_203, %swap3A_204], %swap3A_207 {add = true, strides = array<i32>} : memref<64x512xf32, #tpu.memory_space<vmem>>, vector<1x16xf32>,
        %get3A_208 = arith.index_cast %scan3A_29 : i32 to index
        %get3A_209 = arith.constant 320 : index
        %get3A_210 = tpu.vector_load %arg8[%get3A_208, %get3A_209] {strides = array<i32>} : memref<64x512xf32, #tpu.memory_space<vmem>>, vector<1x16xf32>,
        %get3A_211 = vector.shape_cast %get3A_210 : vector<1x16xf32> to vector<16xf32>
        %swap3A_212 = arith.index_cast %scan3A_29 : i32 to index
        %swap3A_213 = arith.constant 320 : index
        %swap3A_214 = tpu.vector_load %arg7[%swap3A_212, %swap3A_213] {strides = array<i32>} : memref<64x512xf32, #tpu.memory_space<vmem>>, vector<1x16xf32>,
        %swap3A_215 = vector.shape_cast %swap3A_214 : vector<1x16xf32> to vector<16xf32>
        %swap3A_216 = vector.shape_cast %get3A_211 : vector<16xf32> to vector<1x16xf32>
        tpu.vector_store %arg7[%swap3A_212, %swap3A_213], %swap3A_216 {add = true, strides = array<i32>} : memref<64x512xf32, #tpu.memory_space<vmem>>, vector<1x16xf32>,
        %get3A_217 = arith.index_cast %scan3A_29 : i32 to index
        %get3A_218 = arith.constant 336 : index
        %get3A_219 = tpu.vector_load %arg8[%get3A_217, %get3A_218] {strides = array<i32>} : memref<64x512xf32, #tpu.memory_space<vmem>>, vector<1x16xf32>,
        %get3A_220 = vector.shape_cast %get3A_219 : vector<1x16xf32> to vector<16xf32>
        %swap3A_221 = arith.index_cast %scan3A_29 : i32 to index
        %swap3A_222 = arith.constant 336 : index
        %swap3A_223 = tpu.vector_load %arg7[%swap3A_221, %swap3A_222] {strides = array<i32>} : memref<64x512xf32, #tpu.memory_space<vmem>>, vector<1x16xf32>,
        %swap3A_224 = vector.shape_cast %swap3A_223 : vector<1x16xf32> to vector<16xf32>
        %swap3A_225 = vector.shape_cast %get3A_220 : vector<16xf32> to vector<1x16xf32>
        tpu.vector_store %arg7[%swap3A_221, %swap3A_222], %swap3A_225 {add = true, strides = array<i32>} : memref<64x512xf32, #tpu.memory_space<vmem>>, vector<1x16xf32>,
        %get3A_226 = arith.index_cast %scan3A_29 : i32 to index
        %get3A_227 = arith.constant 352 : index
        %get3A_228 = tpu.vector_load %arg8[%get3A_226, %get3A_227] {strides = array<i32>} : memref<64x512xf32, #tpu.memory_space<vmem>>, vector<1x16xf32>,
        %get3A_229 = vector.shape_cast %get3A_228 : vector<1x16xf32> to vector<16xf32>
        %swap3A_230 = arith.index_cast %scan3A_29 : i32 to index
        %swap3A_231 = arith.constant 352 : index
        %swap3A_232 = tpu.vector_load %arg7[%swap3A_230, %swap3A_231] {strides = array<i32>} : memref<64x512xf32, #tpu.memory_space<vmem>>, vector<1x16xf32>,
        %swap3A_233 = vector.shape_cast %swap3A_232 : vector<1x16xf32> to vector<16xf32>
        %swap3A_234 = vector.shape_cast %get3A_229 : vector<16xf32> to vector<1x16xf32>
        tpu.vector_store %arg7[%swap3A_230, %swap3A_231], %swap3A_234 {add = true, strides = array<i32>} : memref<64x512xf32, #tpu.memory_space<vmem>>, vector<1x16xf32>,
        %get3A_235 = arith.index_cast %scan3A_29 : i32 to index
        %get3A_236 = arith.constant 368 : index
        %get3A_237 = tpu.vector_load %arg8[%get3A_235, %get3A_236] {strides = array<i32>} : memref<64x512xf32, #tpu.memory_space<vmem>>, vector<1x16xf32>,
        %get3A_238 = vector.shape_cast %get3A_237 : vector<1x16xf32> to vector<16xf32>
        %swap3A_239 = arith.index_cast %scan3A_29 : i32 to index
        %swap3A_240 = arith.constant 368 : index
        %swap3A_241 = tpu.vector_load %arg7[%swap3A_239, %swap3A_240] {strides = array<i32>} : memref<64x512xf32, #tpu.memory_space<vmem>>, vector<1x16xf32>,
        %swap3A_242 = vector.shape_cast %swap3A_241 : vector<1x16xf32> to vector<16xf32>
        %swap3A_243 = vector.shape_cast %get3A_238 : vector<16xf32> to vector<1x16xf32>
        tpu.vector_store %arg7[%swap3A_239, %swap3A_240], %swap3A_243 {add = true, strides = array<i32>} : memref<64x512xf32, #tpu.memory_space<vmem>>, vector<1x16xf32>,
        %get3A_244 = arith.index_cast %scan3A_29 : i32 to index
        %get3A_245 = arith.constant 384 : index
        %get3A_246 = tpu.vector_load %arg8[%get3A_244, %get3A_245] {strides = array<i32>} : memref<64x512xf32, #tpu.memory_space<vmem>>, vector<1x16xf32>,
        %get3A_247 = vector.shape_cast %get3A_246 : vector<1x16xf32> to vector<16xf32>
        %swap3A_248 = arith.index_cast %scan3A_29 : i32 to index
        %swap3A_249 = arith.constant 384 : index
        %swap3A_250 = tpu.vector_load %arg7[%swap3A_248, %swap3A_249] {strides = array<i32>} : memref<64x512xf32, #tpu.memory_space<vmem>>, vector<1x16xf32>,
        %swap3A_251 = vector.shape_cast %swap3A_250 : vector<1x16xf32> to vector<16xf32>
        %swap3A_252 = vector.shape_cast %get3A_247 : vector<16xf32> to vector<1x16xf32>
        tpu.vector_store %arg7[%swap3A_248, %swap3A_249], %swap3A_252 {add = true, strides = array<i32>} : memref<64x512xf32, #tpu.memory_space<vmem>>, vector<1x16xf32>,
        %get3A_253 = arith.index_cast %scan3A_29 : i32 to index
        %get3A_254 = arith.constant 400 : index
        %get3A_255 = tpu.vector_load %arg8[%get3A_253, %get3A_254] {strides = array<i32>} : memref<64x512xf32, #tpu.memory_space<vmem>>, vector<1x16xf32>,
        %get3A_256 = vector.shape_cast %get3A_255 : vector<1x16xf32> to vector<16xf32>
        %swap3A_257 = arith.index_cast %scan3A_29 : i32 to index
        %swap3A_258 = arith.constant 400 : index
        %swap3A_259 = tpu.vector_load %arg7[%swap3A_257, %swap3A_258] {strides = array<i32>} : memref<64x512xf32, #tpu.memory_space<vmem>>, vector<1x16xf32>,
        %swap3A_260 = vector.shape_cast %swap3A_259 : vector<1x16xf32> to vector<16xf32>
        %swap3A_261 = vector.shape_cast %get3A_256 : vector<16xf32> to vector<1x16xf32>
        tpu.vector_store %arg7[%swap3A_257, %swap3A_258], %swap3A_261 {add = true, strides = array<i32>} : memref<64x512xf32, #tpu.memory_space<vmem>>, vector<1x16xf32>,
        %get3A_262 = arith.index_cast %scan3A_29 : i32 to index
        %get3A_263 = arith.constant 416 : index
        %get3A_264 = tpu.vector_load %arg8[%get3A_262, %get3A_263] {strides = array<i32>} : memref<64x512xf32, #tpu.memory_space<vmem>>, vector<1x16xf32>,
        %get3A_265 = vector.shape_cast %get3A_264 : vector<1x16xf32> to vector<16xf32>
        %swap3A_266 = arith.index_cast %scan3A_29 : i32 to index
        %swap3A_267 = arith.constant 416 : index
        %swap3A_268 = tpu.vector_load %arg7[%swap3A_266, %swap3A_267] {strides = array<i32>} : memref<64x512xf32, #tpu.memory_space<vmem>>, vector<1x16xf32>,
        %swap3A_269 = vector.shape_cast %swap3A_268 : vector<1x16xf32> to vector<16xf32>
        %swap3A_270 = vector.shape_cast %get3A_265 : vector<16xf32> to vector<1x16xf32>
        tpu.vector_store %arg7[%swap3A_266, %swap3A_267], %swap3A_270 {add = true, strides = array<i32>} : memref<64x512xf32, #tpu.memory_space<vmem>>, vector<1x16xf32>,
        %get3A_271 = arith.index_cast %scan3A_29 : i32 to index
        %get3A_272 = arith.constant 432 : index
        %get3A_273 = tpu.vector_load %arg8[%get3A_271, %get3A_272] {strides = array<i32>} : memref<64x512xf32, #tpu.memory_space<vmem>>, vector<1x16xf32>,
        %get3A_274 = vector.shape_cast %get3A_273 : vector<1x16xf32> to vector<16xf32>
        %swap3A_275 = arith.index_cast %scan3A_29 : i32 to index
        %swap3A_276 = arith.constant 432 : index
        %swap3A_277 = tpu.vector_load %arg7[%swap3A_275, %swap3A_276] {strides = array<i32>} : memref<64x512xf32, #tpu.memory_space<vmem>>, vector<1x16xf32>,
        %swap3A_278 = vector.shape_cast %swap3A_277 : vector<1x16xf32> to vector<16xf32>
        %swap3A_279 = vector.shape_cast %get3A_274 : vector<16xf32> to vector<1x16xf32>
        tpu.vector_store %arg7[%swap3A_275, %swap3A_276], %swap3A_279 {add = true, strides = array<i32>} : memref<64x512xf32, #tpu.memory_space<vmem>>, vector<1x16xf32>,
        %get3A_280 = arith.index_cast %scan3A_29 : i32 to index
        %get3A_281 = arith.constant 448 : index
        %get3A_282 = tpu.vector_load %arg8[%get3A_280, %get3A_281] {strides = array<i32>} : memref<64x512xf32, #tpu.memory_space<vmem>>, vector<1x16xf32>,
        %get3A_283 = vector.shape_cast %get3A_282 : vector<1x16xf32> to vector<16xf32>
        %swap3A_284 = arith.index_cast %scan3A_29 : i32 to index
        %swap3A_285 = arith.constant 448 : index
        %swap3A_286 = tpu.vector_load %arg7[%swap3A_284, %swap3A_285] {strides = array<i32>} : memref<64x512xf32, #tpu.memory_space<vmem>>, vector<1x16xf32>,
        %swap3A_287 = vector.shape_cast %swap3A_286 : vector<1x16xf32> to vector<16xf32>
        %swap3A_288 = vector.shape_cast %get3A_283 : vector<16xf32> to vector<1x16xf32>
        tpu.vector_store %arg7[%swap3A_284, %swap3A_285], %swap3A_288 {add = true, strides = array<i32>} : memref<64x512xf32, #tpu.memory_space<vmem>>, vector<1x16xf32>,
        %get3A_289 = arith.index_cast %scan3A_29 : i32 to index
        %get3A_290 = arith.constant 464 : index
        %get3A_291 = tpu.vector_load %arg8[%get3A_289, %get3A_290] {strides = array<i32>} : memref<64x512xf32, #tpu.memory_space<vmem>>, vector<1x16xf32>,
        %get3A_292 = vector.shape_cast %get3A_291 : vector<1x16xf32> to vector<16xf32>
        %swap3A_293 = arith.index_cast %scan3A_29 : i32 to index
        %swap3A_294 = arith.constant 464 : index
        %swap3A_295 = tpu.vector_load %arg7[%swap3A_293, %swap3A_294] {strides = array<i32>} : memref<64x512xf32, #tpu.memory_space<vmem>>, vector<1x16xf32>,
        %swap3A_296 = vector.shape_cast %swap3A_295 : vector<1x16xf32> to vector<16xf32>
        %swap3A_297 = vector.shape_cast %get3A_292 : vector<16xf32> to vector<1x16xf32>
        tpu.vector_store %arg7[%swap3A_293, %swap3A_294], %swap3A_297 {add = true, strides = array<i32>} : memref<64x512xf32, #tpu.memory_space<vmem>>, vector<1x16xf32>,
        %get3A_298 = arith.index_cast %scan3A_29 : i32 to index
        %get3A_299 = arith.constant 480 : index
        %get3A_300 = tpu.vector_load %arg8[%get3A_298, %get3A_299] {strides = array<i32>} : memref<64x512xf32, #tpu.memory_space<vmem>>, vector<1x16xf32>,
        %get3A_301 = vector.shape_cast %get3A_300 : vector<1x16xf32> to vector<16xf32>
        %swap3A_302 = arith.index_cast %scan3A_29 : i32 to index
        %swap3A_303 = arith.constant 480 : index
        %swap3A_304 = tpu.vector_load %arg7[%swap3A_302, %swap3A_303] {strides = array<i32>} : memref<64x512xf32, #tpu.memory_space<vmem>>, vector<1x16xf32>,
        %swap3A_305 = vector.shape_cast %swap3A_304 : vector<1x16xf32> to vector<16xf32>
        %swap3A_306 = vector.shape_cast %get3A_301 : vector<16xf32> to vector<1x16xf32>
        tpu.vector_store %arg7[%swap3A_302, %swap3A_303], %swap3A_306 {add = true, strides = array<i32>} : memref<64x512xf32, #tpu.memory_space<vmem>>, vector<1x16xf32>,
        %get3A_307 = arith.index_cast %scan3A_29 : i32 to index
        %get3A_308 = arith.constant 496 : index
        %get3A_309 = tpu.vector_load %arg8[%get3A_307, %get3A_308] {strides = array<i32>} : memref<64x512xf32, #tpu.memory_space<vmem>>, vector<1x16xf32>,
        %get3A_310 = vector.shape_cast %get3A_309 : vector<1x16xf32> to vector<16xf32>
        %swap3A_311 = arith.index_cast %scan3A_29 : i32 to index
        %swap3A_312 = arith.constant 496 : index
        %swap3A_313 = tpu.vector_load %arg7[%swap3A_311, %swap3A_312] {strides = array<i32>} : memref<64x512xf32, #tpu.memory_space<vmem>>, vector<1x16xf32>,
        %swap3A_314 = vector.shape_cast %swap3A_313 : vector<1x16xf32> to vector<16xf32>
        %swap3A_315 = vector.shape_cast %get3A_310 : vector<16xf32> to vector<1x16xf32>
        tpu.vector_store %arg7[%swap3A_311, %swap3A_312], %swap3A_315 {add = true, strides = array<i32>} : memref<64x512xf32, #tpu.memory_space<vmem>>, vector<1x16xf32>,
      }
      %scan3A_27 = arith.constant 64 : i32
      %add3A_28 = arith.addi %mul3A_6, %mul3A_14 : i32
      "tpu.region"() ({
        %run_scoped3A = tpu.sem_alloc : memref<!tpu.dma_semaphore, #tpu.memory_space<semaphore_mem>>
        %dma_start3A_29 = arith.constant 0 : i32
        %dma_start3A_30 = tpu.memref_slice %arg5[%add3A_28, %dma_start3A_29] : memref<131072x512xf32, #tpu.memory_space<hbm>> -> memref<64x512xf32, #tpu.memory_space<hbm>>
        %dma_start3A_31 = arith.constant 0 : i32
        %dma_start3A_32 = tpu.memref_slice %arg5[%add3A_28, %dma_start3A_31] : memref<131072x512xf32, #tpu.memory_space<hbm>> -> memref<64x512xf32, #tpu.memory_space<hbm>>
        tpu.enqueue_dma source(%arg7 : memref<64x512xf32, #tpu.memory_space<vmem>>) target(%dma_start3A_32 : memref<64x512xf32, #tpu.memory_space<hbm>>) target_semaphore(%run_scoped3A : memref<!tpu.dma_semaphore, #tpu.memory_space<semaphore_mem>>)
        %dma_wait3A_33 = arith.constant 0 : i32
        %dma_wait3A_34 = tpu.memref_slice %arg5[%add3A_28, %dma_wait3A_33] : memref<131072x512xf32, #tpu.memory_space<hbm>> -> memref<64x512xf32, #tpu.memory_space<hbm>>
        %dma_wait3A_35 = arith.constant 0 : i32
        %dma_wait3A_36 = tpu.memref_slice %arg5[%add3A_28, %dma_wait3A_35] : memref<131072x512xf32, #tpu.memory_space<hbm>> -> memref<64x512xf32, #tpu.memory_space<hbm>>
        tpu.wait_dma2 semaphore(%run_scoped3A : memref<!tpu.dma_semaphore, #tpu.memory_space<semaphore_mem>>) src(%arg7 : memref<64x512xf32, #tpu.memory_space<vmem>>) dst(%dma_wait3A_36 : memref<64x512xf32, #tpu.memory_space<hbm>>)
        tpu.yield
      }) : () -> ()
    }
    %scan3A_11 = arith.constant 64 : i32
    return
  }
}

</mosaic_0001>

<sc_bundles>
// kernel: _lookup.3.cloned.1.call-start
scs
__scs_entry_jumppad:
0x0: {  	(pc) =	sbr.rel $0x88, $3  }
0x1: {  	(tag) =	ssettag $0x0;
	lr =	simm.s32 $0x1  }
0x2: {  	[smem:$0x3F9E] =	sst lr;
	_ =	strace $0xD0000000  }
0x3: {  	_ = 	snop  }
0x4: {  	_ = 	snop  }
0x5: {  	_ = 	snop  }
0x6: {  	_ = 	snop  }
0x7: {  	_ = 	snop  }
__scs_overlays_trampoline_lowered:
0x8: {  	[smem:$0x3FAD] =	sst s0  }
0x9: {  	[smem:$0x3FAE] =	sst s1  }
0xa: {  	[smem:$0x3FAF] =	sst s2  }
0xb: {  	[smem:$0x3FB0] =	sst s3  }
0xc: {  	[smem:$0x3FB1] =	sst s4  }
0xd: {  	[smem:$0x3FB2] =	sst s5  }
0xe: {  	[smem:$0x3FB3] =	sst s6  }
0xf: {  	[smem:$0x3FB4] =	sst s7  }
0x10: {  	[smem:$0x3FB5] =	sst s8  }
0x11: {  	[smem:$0x3FB6] =	sst s9;
	s0 =	simm.s32 @!p0 $0x0  }
0x12: {  	s1 =	sld [smem:$0x3F9C];
	s0 =	simm.s32 @p0 $0x1  }
0x13: {  	[smem:$0x3FB7] =	sst s0;
	s0 =	simm.s32 @!p1 $0x0  }
0x14: {  	s2 =	sld [smem:$0x3F9B];
	s0 =	simm.s32 @p1 $0x1  }
0x15: {  	[smem:$0x3FB8] =	sst s0;
	s0 =	simm.s32 @!p2 $0x0  }
0x16: {  	s3 =	sld [smem:$0x3FDB];
	s0 =	simm.s32 @p2 $0x1  }
0x17: {  	s4 =	simm.s32 $0x1BF5;
	[smem:$0x3FBA] =	sst s0  }
0x18: {  	s0 =	sld [smem:$0x3F9D];
	_ =	swait.ge [sflag:s4], $0x0  }
0x19: {  	s7 =	sld [smem:$0x3F9E]  }
0x1a: {  	s8 =	sadd.s32 $0xFFFFE003, lr  }
0x1b: {  	s9 =	sadd.s32 $0xFFFFFEF7, lr;
	s5 =	simm.s32 $0xFFFFFFFF;
	p2 =	slt.u32 s8, $0xFFFFF086  }
0x1c: {  	p1 =	slt.u32 s9, $0xF7A;
	s5 =	simm.s32 @!p2 $0x0  }
0x1d: {  	s5 =	simm.s32 @p1 $0x1;
	p0 =	seq.s32 s7, s2  }
0x1e: {  	s7 =	smul.u32 @!p0 $0xF7A, s2;
	p2 =	seq.s32 @!p0 s5, $0x0  }
0x1f: {  	s9 =	smul.u32 $0xF7A, s1;
	s8 =	simm.s32 @!p0 $0x1BF5;
	p2 =	por !p2, p0  }
0x20: {  	[sflag:s8] =	ssyncset.s32 @!p0 $0xFFFFF086;
	s6 =	sadd.s32 @!p0 s3, s7;
	s7 =	simm.s32 @!p0 $0x108  }
0x21: {  	s3 =	sadd.s32 s3, s9;
	s6 =	sadd.s32 @!p0 $0x88, s6;
	s7 =	simm.s32 @p2 $0x1082  }
0x22: {  	[simem:s7], [sflag:s8] =	dma.local @!p0 [hbm:s6], $0xF7A  }
0x23: {  	s9 =	sor.u32 $0xD0000000, s2;
	s6 =	simm.s32 $0x108;
	_ =	swait.ge @!p0 [sflag:s8], $0x0  }
0x24: {  	s3 =	sadd.s32 $0x88, s3;
	s6 =	simm.s32 @!p1 $0x1082;
	[sflag:s4] =	ssyncset.s32 $0xFFFFF086  }
0x25: {  	[simem:s6], [sflag:s4] =	dma.local [hbm:s3], $0xF7A  }
0x26: {  	[smem:$0x3F9E] =	sst s1;
	(tag) =	ssettag s2;
	_ =	strace s9  }
0x27: {  	s1 =	sld [smem:$0x3FAE]  }
0x28: {  	s2 =	sld [smem:$0x3FAF]  }
0x29: {  	s4 =	sld [smem:$0x3FB1]  }
0x2a: {  	p0 =	seq.s32 s5, $0x0;
	s5 =	sld [smem:$0x3FB2]  }
0x2b: {  	s6 =	sld [smem:$0x3FB3]  }
0x2c: {  	s7 =	sld [smem:$0x3FB4]  }
0x2d: {  	s3 =	simm.s32 $0x108;
	s8 =	sld [smem:$0x3FB5]  }
0x2e: {  	s3 =	simm.s32 @!p0 $0x1082;
	s9 =	sld [smem:$0x3FB6]  }
0x2f: {  	lr =	sadd.s32 s0, s3;
	s0 =	sld [smem:$0x3FAD]  }
0x30: {  	s3 =	sld [smem:$0x3FB0]  }
0x31: {  	[smem:$0x3FB9] =	sst s10  }
0x32: {  	s10 =	sld [smem:$0x3FB7];
	_ =	sdelay $0x3  }
0x33: {  	p0 =	seq.s32 s10, $0x1;
	s10 =	sld [smem:$0x3FB9];
	_ =	sdelay $0x3  }
0x34: {  	[smem:$0x3FB9] =	sst s10  }
0x35: {  	s10 =	sld [smem:$0x3FB8];
	_ =	sdelay $0x3  }
0x36: {  	p1 =	seq.s32 s10, $0x1;
	s10 =	sld [smem:$0x3FB9];
	_ =	sdelay $0x3  }
0x37: {  	[smem:$0x3FB9] =	sst s10  }
0x38: {  	s10 =	sld [smem:$0x3FBA]  }
0x39: {  	_ = 	snop;
	(pc) =	sbr.ind lr, $3  }
0x3a: {  	_ = 	snop  }
0x3b: {  	_ = 	snop  }
0x3c: {  	p2 =	seq.s32 s10, $0x1;
	s10 =	sld [smem:$0x3FB9]  }
0x3d: {  	_ =	shalt  }
0x3e: {  	_ =	shalt  }
0x3f: {  	_ =	shalt  }
0x40: {  	_ =	shalt  }
0x41: {  	_ =	shalt  }
0x42: {  	_ =	shalt  }
0x43: {  	_ =	shalt  }
0x44: {  	_ =	shalt  }
0x45: {  	_ =	shalt  }
0x46: {  	_ =	shalt  }
0x47: {  	_ =	shalt  }
0x48: {  	_ =	shalt  }
0x49: {  	_ =	shalt  }
0x4a: {  	_ =	shalt  }
0x4b: {  	_ =	shalt  }
0x4c: {  	_ =	shalt  }
0x4d: {  	_ =	shalt  }
0x4e: {  	_ =	shalt  }
0x4f: {  	_ =	shalt  }
0x50: {  	_ =	shalt  }
0x51: {  	_ =	shalt  }
0x52: {  	_ =	shalt  }
0x53: {  	_ =	shalt  }
0x54: {  	_ =	shalt  }
0x55: {  	_ =	shalt  }
0x56: {  	_ =	shalt  }
0x57: {  	_ =	shalt  }
0x58: {  	_ =	shalt  }
0x59: {  	_ =	shalt  }
0x5a: {  	_ =	shalt  }
0x5b: {  	_ =	shalt  }
0x5c: {  	_ =	shalt  }
0x5d: {  	_ =	shalt  }
0x5e: {  	_ =	shalt  }
0x5f: {  	_ =	shalt  }
0x60: {  	_ =	shalt  }
0x61: {  	_ =	shalt  }
0x62: {  	_ =	shalt  }
0x63: {  	_ =	shalt  }
0x64: {  	_ =	shalt  }
0x65: {  	_ =	shalt  }
0x66: {  	_ =	shalt  }
0x67: {  	_ =	shalt  }
0x68: {  	_ =	shalt  }
0x69: {  	_ =	shalt  }
0x6a: {  	_ =	shalt  }
0x6b: {  	_ =	shalt  }
0x6c: {  	_ =	shalt  }
0x6d: {  	_ =	shalt  }
0x6e: {  	_ =	shalt  }
0x6f: {  	_ =	shalt  }
0x70: {  	_ =	shalt  }
0x71: {  	_ =	shalt  }
0x72: {  	_ =	shalt  }
0x73: {  	_ =	shalt  }
0x74: {  	_ =	shalt  }
0x75: {  	_ =	shalt  }
0x76: {  	_ =	shalt  }
0x77: {  	_ =	shalt  }
0x78: {  	_ =	shalt  }
0x79: {  	_ =	shalt  }
0x7a: {  	_ =	shalt  }
0x7b: {  	_ =	shalt  }
0x7c: {  	_ =	shalt  }
0x7d: {  	_ =	shalt  }
0x7e: {  	_ =	shalt  }
0x7f: {  	_ =	shalt  }
0x80: {  	_ =	shalt  }
0x81: {  	_ =	shalt  }
0x82: {  	_ =	shalt  }
0x83: {  	_ =	shalt  }
0x84: {  	_ =	shalt  }
0x85: {  	_ =	shalt  }
0x86: {  	_ =	shalt  }
0x87: {  	_ =	shalt  }
.Lfunc_end0:
.L_simem_size_0:
called_computation_lowered:
.L_overlay_start_0:
0x88: {  	s2 =	sld [smem:$0x3FD9]  }
0x89: {  	s3 =	sld [smem:$0x3FFE];
	_ =	sdelay $0x1  }
0x8a: {  	s1 =	srdreg.scid  }
0x8b: {  	s0 =	sand.u32 $0x1, s1  }
0x8c: {  	s18 =	sshll.u32 s0, $0xA;
	s2 =	sadd.s32 s3, s2  }
0x8d: {  	s2 =	sadd.s32 s2, s18  }
0x8e: {  	[smem:$0x3FC5] =	sst s2  }
0x8f: {  	_ = 	snop  }
0x90: {  	s2 =	sld [smem:$0x3FC9]  }
0x91: {  	s19 =	sld [smem:$0x3FC8]  }
0x92: {  	s4 =	sld [smem:$0x3FC7]  }
0x93: {  	s5 =	sld [smem:$0x3FD0];
	(tm) =	ssettm $0x1  }
0x94: {  	s6 =	sld [smem:$0x3FFB];
	_ =	sdelay $0x3  }
0x95: {  	_ =	strace s6  }
0x96: {  	s6 =	sld [smem:$0x3FFC];
	_ =	sdelay $0x3  }
0x97: {  	_ =	strace s6  }
0x98: {  	s6 =	sld [smem:$0x3FFD];
	_ =	sdelay $0x3  }
0x99: {  	_ =	strace s6  }
0x9a: {  	_ =	strace $0x8FFFFFFF  }
0x9b: {  	s20 =	sld [smem:$0x3FDB];
	_ =	sdelay $0x1  }
0x9c: {  	s7 =	simm.s32 $_scs_section_size  }
0x9d: {  	s8 =	simm.s32 $_size__tile_overlayer_lowered;
	s9 =	simm.s32 $_tile_overlayer_lowered  }
0x9e: {  	s23 =	simm.s32 $0x1BFF;
	s22 =	sshll.u32 s9, $0x1;
	s6 =	sadd.s32 s7, s20  }
0x9f: {  	s10 =	simm.s32 $0x0;
	s21 =	sshll.u32 s8, $0x1;
	s8 =	sadd.s32 s22, s6  }
0xa0: {  	[timem:s10], [sflag:s23] =	dma.local [hbm:s8], s21  }
0xa1: {  	_ =	swait.ge [sflag:s23], s21  }
0xa2: {  	s7 =	ssub.s32 $0x0, s21;
	[sflag:s23] =	ssyncset.done $0x0  }
0xa3: {  	[sflag:s23] =	ssyncadd.s32 s7;
	_ =	sdelay $0x1  }
0xa4: {  	s24 =	simm.s32 $0x1B8B  }
0xa5: {  	_ =	swait.ge [sflag:s24], $0x1  }
0xa6: {  	[sflag:s24] =	ssyncset.done $0x0  }
0xa7: {  	s25 =	simm.s32 $0x1B8E;
	[sflag:s24] =	ssyncadd.s32 $0xFFFFFFFF  }
0xa8: {  	s26 =	simm.s32 $execute0_lowered;
	[smem:$0x3FD2] =	sst s25  }
0xa9: {  	s7 =	sshll.u32 s26, $0x1;
	_ =	strace $0x80000046;
	[dreg:$0x1] =	wrdreg $0xFFFFFFFF  }
0xaa: {  	s28 =	simm.s32 $_size_execute0_lowered;
	s6 =	sadd.s32 s6, s7;
	[dreg:$0x0] =	wrdreg $0x0  }
0xab: {  	s7 =	sshll.u32 s28, $0x1;
	[dreg:$0x2] =	wrdreg s6  }
0xac: {  	[dreg:$0x3] =	wrdreg s7  }
0xad: {  	[dreg:$0x4] =	wrdreg $0xC0  }
0xae: {  	_ =	task [dreg:s10], $0x5FFFF  }
0xaf: {  	[dreg:$0x1] =	wrdreg $0xFFFFFFFF  }
0xb0: {  	[dreg:$0x0] =	wrdreg $0x60  }
0xb1: {  	[dreg:$0x2] =	wrdreg s2  }
0xb2: {  	[dreg:$0x3] =	wrdreg s19  }
0xb3: {  	[dreg:$0x4] =	wrdreg s4  }
0xb4: {  	[dreg:$0x5] =	wrdreg s5  }
0xb5: {  	[dreg:$0x6] =	wrdreg $0x110000  }
0xb6: {  	[dreg:$0x7] =	wrdreg $0x9  }
0xb7: {  	_ =	task.clear_ibuf [dreg:s10], $0x8FFFF;
	_ =	strace $0x90000046  }
0xb8: {  	s29 =	simm.s32 $0x9;
	_ =	strace $0x80000048  }
0xb9: {  	_ =	swait.ge [sflag:s29], $0x1  }
0xba: {  	[sflag:s29] =	ssyncadd.s32 $0xFFFFFFFF  }
0xbb: {  	_ =	strace $0x90000048  }
0xbc: {  	_ =	sfence  }
0xbd: {  	s30 =	sld [smem:$0x0];
	_ =	sdelay $0x2  }
0xbe: {  	s31 =	sshll.u32 s1, $0xD;
	s1 =	sshrl.u32 s1, $0x2  }
0xbf: {  	s3 =	sand.u32 $0x4000, s31;
	s1 =	sadd.s32 s1, s30  }
0xc0: {  	s0 =	sor.u32 s3, s0;
	s1 =	sshll.u32 s1, $0x11  }
0xc1: {  	s0 =	sor.u32 s1, s0  }
0xc2: {  	s0 =	sadd.s32 $0x8F2B, s0  }
0xc3: {  	[sflag:s0] =	ssyncadd.remote.s32 $0x1  }
0xc4: {  	_ =	sfence.sel $0xFFFF  }
0xc5: {  	[dreg:$0x0] =	wrdreg $0xFFFFFFFF;
	(pc) =	sbr.abs _section_cstart, $3  }
0xc6: {  	[dreg:$0x1] =	wrdreg $0xFFFFFFFF  }
0xc7: {  	_ =	task.clear_ibuf [dreg:s10], $0x2FFFF;
	_ =	strace $0x9FFFFFFF  }
0xc8: {  	(tm) =	ssettm $0x7FFFFFFF  }
0xc9: {  	_ =	shalt  }
tec
execute0_lowered:
.L_overlay_start_1:
0x0: {  	(tag) =	ssettag $0x1  }
0x1: {  	s0 =	rddreg [dreg:$0x0]  }
0x2: {  	s1 =	rddreg [dreg:$0x1]  }
0x3: {  	s2 =	rddreg [dreg:$0x2];
	s4 =	srdreg.scid  }
0x4: {  	s3 =	rddreg [dreg:$0x4];
	s5 =	simm.s32 $0x0;
	s9 =	stileid.u32  }
0x5: {  	s13 =	simm.s32 $0x2;
	s14 =	simm.s32 $0x9000;
	s15 =	simm.s32 $0x1000  }
0x6: {  	s16 =	simm.s32 $0x1800;
	s17 =	simm.s32 $0x2000;
	s18 =	simm.s32 $0x2800  }
0x7: {  	s19 =	simm.s32 $0x3000;
	s28 =	simm.s32 $0x7000;
	s29 =	simm.s32 $0x7800  }
0x8: {  	s30 =	simm.s32 $0x8000;
	s31 =	simm.s32 $0x8800;
	s4 =	sand.u32 $0x1, s4  }
0x9: {  	[smem:$0x7FF] =	sst s5;
	s20 =	sshll.u32 s9, $0xC;
	s21 =	sshll.u32 s9, $0xD  }
0xa: {  	s8 =	sshll.u32 s9, $0xF;
	s9 =	sshll.u32 s9, $0x6;
	s10 =	sadd.s32 $0x100, s1  }
0xb: {  	s6 =	ssub.s32 $0x2, s4;
	_ =	strace $0x80000047;
	s2 =	sadd.s32 s2, s20  }
0xc: {  	s4 =	sshll.u32 s4, $0xC;
	s22 =	sadd.s32 s8, s3;
	s23 =	sor.u32 $0x1C02, s9  }
0xd: {  	s20 =	simm.s32 $0x3800;
	s7 =	sshrl.u32 s6, $0x1;
	[dreg:$0x6] =	wrdreg s2  }
0xe: {  	[dreg:$0x7] =	wrdreg s23;
	s26 =	sshrl.u32 s22, $0x3;
	s22 =	simm.s32 $0x4800  }
0xf: {  	s23 =	simm.s32 $0x5000;
	s6 =	ssub.s32 s6, s7;
	s7 =	sor.u32 s4, s21  }
0x10: {  	[dreg:$0xa] =	wrdreg s26;
	s21 =	simm.s32 $0x4000;
	s26 =	simm.s32 $0x6800  }
0x11: {  	v2 =	vlaneseq.u32;
	s4 =	simm.s32 $0x0;
	s24 =	sshrl.u32 s7, $0x3;
	s25 =	smax.u32 s6, $0x1  }
0x12: {  	vm0 =	vmmov $0xffff;
	v1 =	vshrl.u32 v2, $0x3;
	s0 =	sadd.s32 s0, s24;
	[dreg:$0x9] =	wrdreg s25;
	s24 =	simm.s32 $0x5800  }
0x13: {  	v0 =	vand.u32 $0x7, v2;
	v2 =	vor.u32 $0x8, v2;
	v1 =	vmul.u32 $0x8, v1;
	s25 =	simm.s32 $0x6000;
	[dreg:$0x8] =	wrdreg s0;
	s0 =	simm.s32 $0x1  }
.LBB2_1:
0x14: {  	[dreg:$0xb] =	wrdreg s4  }
0x15: {  	s2 =	rddreg [dreg:$0x6]  }
0x16: {  	s11 =	rddreg [dreg:$0x7]  }
0x17: {  	s6 =	rddreg [dreg:$0xa]  }
0x18: {  	[spmem:s6], [sflag:s11] =	dma.local [hbm:s2], $0x1000  }
0x19: {  	_ =	swait.ge [sflag:s13], $0x1000  }
0x1a: {  	[sflag:s13] =	ssyncset.done $0x0  }
0x1b: {  	s12 =	rddreg [dreg:$0x8];
	[sflag:s13] =	ssyncadd.s32 $0xFFFFF000  }
0x1c: {  	[tilespmem:s5], [sflag:$0x2] =	stream.linear.gather [hbm4b:s12+s5], $0x1000, $0x38;
	[tilespmem:$0x19000] =	vst v63  }
0x1d: {  	_ =	swait.ge [sflag:s13], $0x1000  }
0x1e: {  	[sflag:s13] =	ssyncset.done $0x0  }
0x1f: {  	[sflag:s13] =	ssyncadd.s32 $0xFFFFF000  }
0x20: {  	s6 =	simm.s32 $0x0;
	[bflag:$0x0] =	sbarrier.arrive $0xFFFF  }
.LBB2_2:
0x21: {  	s2 =	sshll.u32 s6, $0xF  }
0x22: {  	s2 =	sand.u32 $0x78000, s2  }
0x23: {  	s2 =	sadd.s32 s2, s3  }
0x24: {  	[tilespmem:s14], [sflag:$0x2] =	stream.linear.gather [spmem:s2], $0x8000, $0x38;
	[tilespmem:$0x19000] =	vst v63  }
0x25: {  	_ =	swait.ge [sflag:s13], $0x8000  }
0x26: {  	[sflag:s13] =	ssyncset.done $0x0  }
0x27: {  	s8 =	sshll.u32 s6, $0x6;
	[sflag:s13] =	ssyncadd.s32 $0xFFFF8000  }
0x28: {  	v3 =	vld [tilespmem:s8+$0x0];
	_ =	sdelay $0x4  }
0x29: {  	v4 =	vshll.u32 v3, $0x2  }
0x2a: {  	v3 =	vand.u32 $0x7, v3;
	v4 =	vand.u32 $0xFFFFFFE0, v4  }
0x2b: {  	v3 =	vor.u32 v3, v4  }
0x2c: {  	v4 =	vperm.xlane v3, v0;
	_ =	sdelay $0x1  }
0x2d: {  	v4 =	vadd.s32 v1, v4;
	_ =	sdelay $0x1  }
0x2e: {  	v3 =	vperm.xlane v3, v2;
	_ =	sdelay $0x1  }
0x2f: {  	s11 =	simm.s32 $0x0;
	v3 =	vadd.s32 v1, v3  }
0x30: {  	[tilespmem:s15], [sflag:$0x1] =	stream.indirect_vreg.gather [hbm4b:s1+s11], $0x80, v4, vm0, $0xb8;
	[tilespmem:$0x19000] =	vst v63  }
0x31: {  	_ = 	snop  }
0x32: {  	[tilespmem:s16], [sflag:$0x1] =	stream.indirect_vreg.gather [hbm4b:s10+s11], $0x80, v4, vm0, $0xb8;
	[tilespmem:$0x19000] =	vst v63  }
0x33: {  	_ = 	snop  }
0x34: {  	[tilespmem:s17], [sflag:$0x1] =	stream.indirect_vreg.gather [hbm4b:s1+s11], $0x80, v3, vm0, $0xb8;
	[tilespmem:$0x19000] =	vst v63  }
0x35: {  	_ = 	snop  }
0x36: {  	[tilespmem:s18], [sflag:$0x1] =	stream.indirect_vreg.gather [hbm4b:s10+s11], $0x80, v3, vm0, $0xb8;
	[tilespmem:$0x19000] =	vst v63  }
0x37: {  	v3 =	vld [tilespmem:s8+$0x10];
	_ =	sdelay $0x4  }
0x38: {  	v4 =	vshll.u32 v3, $0x2  }
0x39: {  	v3 =	vand.u32 $0x7, v3;
	v4 =	vand.u32 $0xFFFFFFE0, v4  }
0x3a: {  	v3 =	vor.u32 v3, v4  }
0x3b: {  	v4 =	vperm.xlane v3, v0;
	_ =	sdelay $0x1  }
0x3c: {  	v4 =	vadd.s32 v1, v4;
	_ =	sdelay $0x1  }
0x3d: {  	v3 =	vperm.xlane v3, v2;
	_ =	sdelay $0x1  }
0x3e: {  	v3 =	vadd.s32 v1, v3  }
0x3f: {  	[tilespmem:s19], [sflag:$0x1] =	stream.indirect_vreg.gather [hbm4b:s1+s11], $0x80, v4, vm0, $0xb8;
	[tilespmem:$0x19000] =	vst v63  }
0x40: {  	_ = 	snop  }
0x41: {  	[tilespmem:s20], [sflag:$0x1] =	stream.indirect_vreg.gather [hbm4b:s10+s11], $0x80, v4, vm0, $0xb8;
	[tilespmem:$0x19000] =	vst v63  }
0x42: {  	_ = 	snop  }
0x43: {  	[tilespmem:s21], [sflag:$0x1] =	stream.indirect_vreg.gather [hbm4b:s1+s11], $0x80, v3, vm0, $0xb8;
	[tilespmem:$0x19000] =	vst v63  }
0x44: {  	_ = 	snop  }
0x45: {  	[tilespmem:s22], [sflag:$0x1] =	stream.indirect_vreg.gather [hbm4b:s10+s11], $0x80, v3, vm0, $0xb8;
	[tilespmem:$0x19000] =	vst v63  }
0x46: {  	v3 =	vld [tilespmem:s8+$0x20];
	_ =	sdelay $0x4  }
0x47: {  	v4 =	vshll.u32 v3, $0x2  }
0x48: {  	v3 =	vand.u32 $0x7, v3;
	v4 =	vand.u32 $0xFFFFFFE0, v4  }
0x49: {  	v3 =	vor.u32 v3, v4  }
0x4a: {  	v4 =	vperm.xlane v3, v0;
	_ =	sdelay $0x1  }
0x4b: {  	v4 =	vadd.s32 v1, v4;
	_ =	sdelay $0x1  }
0x4c: {  	v3 =	vperm.xlane v3, v2;
	_ =	sdelay $0x1  }
0x4d: {  	v3 =	vadd.s32 v1, v3  }
0x4e: {  	[tilespmem:s23], [sflag:$0x1] =	stream.indirect_vreg.gather [hbm4b:s1+s11], $0x80, v4, vm0, $0xb8;
	[tilespmem:$0x19000] =	vst v63  }
0x4f: {  	_ = 	snop  }
0x50: {  	[tilespmem:s24], [sflag:$0x1] =	stream.indirect_vreg.gather [hbm4b:s10+s11], $0x80, v4, vm0, $0xb8;
	[tilespmem:$0x19000] =	vst v63  }
0x51: {  	_ = 	snop  }
0x52: {  	[tilespmem:s25], [sflag:$0x1] =	stream.indirect_vreg.gather [hbm4b:s1+s11], $0x80, v3, vm0, $0xb8;
	[tilespmem:$0x19000] =	vst v63  }
0x53: {  	_ = 	snop  }
0x54: {  	[tilespmem:s26], [sflag:$0x1] =	stream.indirect_vreg.gather [hbm4b:s10+s11], $0x80, v3, vm0, $0xb8;
	[tilespmem:$0x19000] =	vst v63  }
0x55: {  	v3 =	vld [tilespmem:s8+$0x30];
	_ =	sdelay $0x4  }
0x56: {  	v4 =	vshll.u32 v3, $0x2  }
0x57: {  	v3 =	vand.u32 $0x7, v3;
	v4 =	vand.u32 $0xFFFFFFE0, v4  }
0x58: {  	v3 =	vor.u32 v3, v4  }
0x59: {  	v4 =	vperm.xlane v3, v0;
	_ =	sdelay $0x1  }
0x5a: {  	v4 =	vadd.s32 v1, v4;
	_ =	sdelay $0x1  }
0x5b: {  	v3 =	vperm.xlane v3, v2;
	_ =	sdelay $0x1  }
0x5c: {  	v3 =	vadd.s32 v1, v3  }
0x5d: {  	[tilespmem:s28], [sflag:$0x1] =	stream.indirect_vreg.gather [hbm4b:s1+s11], $0x80, v4, vm0, $0xb8;
	[tilespmem:$0x19000] =	vst v63  }
0x5e: {  	_ = 	snop  }
0x5f: {  	[tilespmem:s29], [sflag:$0x1] =	stream.indirect_vreg.gather [hbm4b:s10+s11], $0x80, v4, vm0, $0xb8;
	[tilespmem:$0x19000] =	vst v63  }
0x60: {  	_ = 	snop  }
0x61: {  	[tilespmem:s30], [sflag:$0x1] =	stream.indirect_vreg.gather [hbm4b:s1+s11], $0x80, v3, vm0, $0xb8;
	[tilespmem:$0x19000] =	vst v63  }
0x62: {  	_ = 	snop  }
0x63: {  	[tilespmem:s31], [sflag:$0x1] =	stream.indirect_vreg.gather [hbm4b:s10+s11], $0x80, v3, vm0, $0xb8;
	[tilespmem:$0x19000] =	vst v63  }
0x64: {  	_ =	swait.ge [sflag:s0], $0x8000  }
0x65: {  	s4 =	sand.u32 $0x7000, s11;
	s2 =	sand.u32 $0x380, s11;
	[sflag:s0] =	ssyncset.done $0x0  }
0x66: {  	s9 =	sor.u32 s2, s4;
	[sflag:s0] =	ssyncadd.s32 $0xFFFF8000  }
0x67: {  	v3 =	vld [tilespmem:s9+$0x9C70]  }
0x68: {  	v4 =	vld [tilespmem:s9+$0x9000]  }
0x69: {  	v5 =	vld [tilespmem:s9+$0x9010]  }
0x6a: {  	v6 =	vld [tilespmem:s9+$0x9020]  }
0x6b: {  	v7 =	vld [tilespmem:s9+$0x9030]  }
0x6c: {  	v8 =	vld [tilespmem:s9+$0x9040]  }
0x6d: {  	v9 =	vld [tilespmem:s9+$0x9050]  }
0x6e: {  	v10 =	vld [tilespmem:s9+$0x9060]  }
0x6f: {  	v11 =	vld [tilespmem:s9+$0x9070]  }
0x70: {  	v12 =	vld [tilespmem:s9+$0x9400]  }
0x71: {  	v13 =	vld [tilespmem:s9+$0x9410]  }
0x72: {  	v14 =	vld [tilespmem:s9+$0x9420]  }
0x73: {  	v15 =	vld [tilespmem:s9+$0x9430]  }
0x74: {  	v16 =	vld [tilespmem:s9+$0x9440]  }
0x75: {  	v17 =	vld [tilespmem:s9+$0x9450]  }
0x76: {  	v18 =	vld [tilespmem:s9+$0x9460]  }
0x77: {  	v19 =	vld [tilespmem:s9+$0x9470]  }
0x78: {  	v20 =	vld [tilespmem:s9+$0x9800]  }
0x79: {  	v21 =	vld [tilespmem:s9+$0x9810]  }
0x7a: {  	v22 =	vld [tilespmem:s9+$0x9820]  }
0x7b: {  	v23 =	vld [tilespmem:s9+$0x9830]  }
0x7c: {  	v24 =	vld [tilespmem:s9+$0x9840]  }
0x7d: {  	v25 =	vld [tilespmem:s9+$0x9850]  }
0x7e: {  	v26 =	vld [tilespmem:s9+$0x9860]  }
0x7f: {  	v27 =	vld [tilespmem:s9+$0x9870]  }
0x80: {  	v28 =	vld [tilespmem:s9+$0x9C00]  }
0x81: {  	v29 =	vld [tilespmem:s9+$0x9C10]  }
0x82: {  	v30 =	vld [tilespmem:s9+$0x9C20]  }
0x83: {  	v31 =	vld [tilespmem:s9+$0x9C30]  }
0x84: {  	v32 =	vld [tilespmem:s9+$0x9C40]  }
0x85: {  	v33 =	vld [tilespmem:s9+$0x9C50]  }
0x86: {  	[tilespmem:s9+$0x1C70] =	vst.add.f32.msk $0xffff, v3  }
0x87: {  	v3 =	vld [tilespmem:s9+$0x9C60]  }
0x88: {  	[tilespmem:s9+$0x1000] =	vst.add.f32.msk $0xffff, v4  }
0x89: {  	[tilespmem:s9+$0x1010] =	vst.add.f32.msk $0xffff, v5  }
0x8a: {  	[tilespmem:s9+$0x1020] =	vst.add.f32.msk $0xffff, v6  }
0x8b: {  	[tilespmem:s9+$0x1030] =	vst.add.f32.msk $0xffff, v7  }
0x8c: {  	[tilespmem:s9+$0x1040] =	vst.add.f32.msk $0xffff, v8  }
0x8d: {  	[tilespmem:s9+$0x1050] =	vst.add.f32.msk $0xffff, v9  }
0x8e: {  	[tilespmem:s9+$0x1060] =	vst.add.f32.msk $0xffff, v10  }
0x8f: {  	[tilespmem:s9+$0x1070] =	vst.add.f32.msk $0xffff, v11  }
0x90: {  	[tilespmem:s9+$0x1400] =	vst.add.f32.msk $0xffff, v12  }
0x91: {  	[tilespmem:s9+$0x1410] =	vst.add.f32.msk $0xffff, v13  }
0x92: {  	[tilespmem:s9+$0x1420] =	vst.add.f32.msk $0xffff, v14  }
0x93: {  	[tilespmem:s9+$0x1430] =	vst.add.f32.msk $0xffff, v15  }
0x94: {  	[tilespmem:s9+$0x1440] =	vst.add.f32.msk $0xffff, v16  }
0x95: {  	[tilespmem:s9+$0x1450] =	vst.add.f32.msk $0xffff, v17  }
0x96: {  	[tilespmem:s9+$0x1460] =	vst.add.f32.msk $0xffff, v18  }
0x97: {  	[tilespmem:s9+$0x1470] =	vst.add.f32.msk $0xffff, v19  }
0x98: {  	[tilespmem:s9+$0x1800] =	vst.add.f32.msk $0xffff, v20  }
0x99: {  	[tilespmem:s9+$0x1810] =	vst.add.f32.msk $0xffff, v21  }
0x9a: {  	[tilespmem:s9+$0x1820] =	vst.add.f32.msk $0xffff, v22  }
0x9b: {  	[tilespmem:s9+$0x1830] =	vst.add.f32.msk $0xffff, v23  }
0x9c: {  	[tilespmem:s9+$0x1840] =	vst.add.f32.msk $0xffff, v24  }
0x9d: {  	[tilespmem:s9+$0x1850] =	vst.add.f32.msk $0xffff, v25  }
0x9e: {  	[tilespmem:s9+$0x1860] =	vst.add.f32.msk $0xffff, v26  }
0x9f: {  	[tilespmem:s9+$0x1870] =	vst.add.f32.msk $0xffff, v27  }
0xa0: {  	[tilespmem:s9+$0x1C00] =	vst.add.f32.msk $0xffff, v28  }
0xa1: {  	[tilespmem:s9+$0x1C10] =	vst.add.f32.msk $0xffff, v29  }
0xa2: {  	[tilespmem:s9+$0x1C20] =	vst.add.f32.msk $0xffff, v30  }
0xa3: {  	[tilespmem:s9+$0x1C30] =	vst.add.f32.msk $0xffff, v31  }
0xa4: {  	s12 =	simm.s32 $0x200;
	s11 =	simm.s32 $0x80;
	[tilespmem:s9+$0x1C40] =	vst.add.f32.msk $0xffff, v32  }
0xa5: {  	s4 =	sand.u32 $0x7000, s12;
	s12 =	simm.s32 $0x400;
	s2 =	sand.u32 $0x380, s11;
	[tilespmem:s9+$0x1C50] =	vst.add.f32.msk $0xffff, v33  }
.LBB2_3:
0xa6: {  	p0 =	sne.s32 s12, $0x7E00;
	[tilespmem:s9+$0x1C60] =	vst.add.f32.msk $0xffff, v3;
	s9 =	sor.u32 s2, s4  }
0xa7: {  	v3 =	vld [tilespmem:s9+$0x9C70]  }
0xa8: {  	v4 =	vld [tilespmem:s9+$0x9000]  }
0xa9: {  	v5 =	vld [tilespmem:s9+$0x9010]  }
0xaa: {  	v6 =	vld [tilespmem:s9+$0x9020]  }
0xab: {  	v7 =	vld [tilespmem:s9+$0x9030]  }
0xac: {  	[tilespmem:s9+$0x1C70] =	vst.add.f32.msk $0xffff, v3  }
0xad: {  	v8 =	vld [tilespmem:s9+$0x9040]  }
0xae: {  	v9 =	vld [tilespmem:s9+$0x9050]  }
0xaf: {  	v10 =	vld [tilespmem:s9+$0x9060]  }
0xb0: {  	v11 =	vld [tilespmem:s9+$0x9070]  }
0xb1: {  	v12 =	vld [tilespmem:s9+$0x9400]  }
0xb2: {  	v13 =	vld [tilespmem:s9+$0x9410]  }
0xb3: {  	v14 =	vld [tilespmem:s9+$0x9420]  }
0xb4: {  	v15 =	vld [tilespmem:s9+$0x9430]  }
0xb5: {  	v16 =	vld [tilespmem:s9+$0x9440]  }
0xb6: {  	v17 =	vld [tilespmem:s9+$0x9450]  }
0xb7: {  	v18 =	vld [tilespmem:s9+$0x9460]  }
0xb8: {  	v19 =	vld [tilespmem:s9+$0x9470]  }
0xb9: {  	v20 =	vld [tilespmem:s9+$0x9800]  }
0xba: {  	v21 =	vld [tilespmem:s9+$0x9810]  }
0xbb: {  	v22 =	vld [tilespmem:s9+$0x9820]  }
0xbc: {  	v23 =	vld [tilespmem:s9+$0x9830]  }
0xbd: {  	v24 =	vld [tilespmem:s9+$0x9840]  }
0xbe: {  	v25 =	vld [tilespmem:s9+$0x9850]  }
0xbf: {  	v26 =	vld [tilespmem:s9+$0x9860]  }
0xc0: {  	v27 =	vld [tilespmem:s9+$0x9870]  }
0xc1: {  	v28 =	vld [tilespmem:s9+$0x9C00]  }
0xc2: {  	v29 =	vld [tilespmem:s9+$0x9C10]  }
0xc3: {  	v30 =	vld [tilespmem:s9+$0x9C20]  }
0xc4: {  	v31 =	vld [tilespmem:s9+$0x9C30]  }
0xc5: {  	v32 =	vld [tilespmem:s9+$0x9C40]  }
0xc6: {  	v33 =	vld [tilespmem:s9+$0x9C50]  }
0xc7: {  	v3 =	vld [tilespmem:s9+$0x9C60]  }
0xc8: {  	[tilespmem:s9+$0x1000] =	vst.add.f32.msk $0xffff, v4  }
0xc9: {  	[tilespmem:s9+$0x1010] =	vst.add.f32.msk $0xffff, v5  }
0xca: {  	[tilespmem:s9+$0x1020] =	vst.add.f32.msk $0xffff, v6  }
0xcb: {  	[tilespmem:s9+$0x1030] =	vst.add.f32.msk $0xffff, v7  }
0xcc: {  	[tilespmem:s9+$0x1040] =	vst.add.f32.msk $0xffff, v8  }
0xcd: {  	[tilespmem:s9+$0x1050] =	vst.add.f32.msk $0xffff, v9  }
0xce: {  	[tilespmem:s9+$0x1060] =	vst.add.f32.msk $0xffff, v10  }
0xcf: {  	[tilespmem:s9+$0x1070] =	vst.add.f32.msk $0xffff, v11  }
0xd0: {  	[tilespmem:s9+$0x1400] =	vst.add.f32.msk $0xffff, v12  }
0xd1: {  	[tilespmem:s9+$0x1410] =	vst.add.f32.msk $0xffff, v13  }
0xd2: {  	[tilespmem:s9+$0x1420] =	vst.add.f32.msk $0xffff, v14  }
0xd3: {  	[tilespmem:s9+$0x1430] =	vst.add.f32.msk $0xffff, v15  }
0xd4: {  	[tilespmem:s9+$0x1440] =	vst.add.f32.msk $0xffff, v16  }
0xd5: {  	[tilespmem:s9+$0x1450] =	vst.add.f32.msk $0xffff, v17  }
0xd6: {  	[tilespmem:s9+$0x1460] =	vst.add.f32.msk $0xffff, v18  }
0xd7: {  	[tilespmem:s9+$0x1470] =	vst.add.f32.msk $0xffff, v19  }
0xd8: {  	[tilespmem:s9+$0x1800] =	vst.add.f32.msk $0xffff, v20  }
0xd9: {  	[tilespmem:s9+$0x1810] =	vst.add.f32.msk $0xffff, v21  }
0xda: {  	[tilespmem:s9+$0x1820] =	vst.add.f32.msk $0xffff, v22  }
0xdb: {  	[tilespmem:s9+$0x1830] =	vst.add.f32.msk $0xffff, v23  }
0xdc: {  	[tilespmem:s9+$0x1840] =	vst.add.f32.msk $0xffff, v24  }
0xdd: {  	[tilespmem:s9+$0x1850] =	vst.add.f32.msk $0xffff, v25  }
0xde: {  	[tilespmem:s9+$0x1860] =	vst.add.f32.msk $0xffff, v26  }
0xdf: {  	[tilespmem:s9+$0x1870] =	vst.add.f32.msk $0xffff, v27  }
0xe0: {  	[tilespmem:s9+$0x1C00] =	vst.add.f32.msk $0xffff, v28  }
.Ltmp0:
0xe1: {  	[tilespmem:s9+$0x1C10] =	vst.add.f32.msk $0xffff, v29;
	(pc) =	sbr.rel @p0 .LBB2_3-.Ltmp0, $4  }
0xe2: {  	[tilespmem:s9+$0x1C20] =	vst.add.f32.msk $0xffff, v30  }
0xe3: {  	[tilespmem:s9+$0x1C30] =	vst.add.f32.msk $0xffff, v31  }
0xe4: {  	s11 =	sadd.s32 $0x80, s11;
	[tilespmem:s9+$0x1C40] =	vst.add.f32.msk $0xffff, v32  }
0xe5: {  	s4 =	sand.u32 $0x7000, s12;
	s12 =	sadd.s32 $0x200, s12;
	s2 =	sand.u32 $0x380, s11;
	[tilespmem:s9+$0x1C50] =	vst.add.f32.msk $0xffff, v33  }
0xe6: {  	s11 =	sor.u32 s2, s4;
	[tilespmem:s9+$0x1C60] =	vst.add.f32.msk $0xffff, v3  }
0xe7: {  	v3 =	vld [tilespmem:s11+$0x9C70]  }
0xe8: {  	v4 =	vld [tilespmem:s11+$0x9000]  }
0xe9: {  	v5 =	vld [tilespmem:s11+$0x9010]  }
0xea: {  	v6 =	vld [tilespmem:s11+$0x9020]  }
0xeb: {  	v7 =	vld [tilespmem:s11+$0x9030]  }
0xec: {  	v8 =	vld [tilespmem:s11+$0x9050]  }
0xed: {  	v9 =	vld [tilespmem:s11+$0x9060]  }
0xee: {  	v10 =	vld [tilespmem:s11+$0x9070]  }
0xef: {  	v11 =	vld [tilespmem:s11+$0x9400]  }
0xf0: {  	v12 =	vld [tilespmem:s11+$0x9410]  }
0xf1: {  	v13 =	vld [tilespmem:s11+$0x9420]  }
0xf2: {  	v14 =	vld [tilespmem:s11+$0x9430]  }
0xf3: {  	v15 =	vld [tilespmem:s11+$0x9440]  }
0xf4: {  	v16 =	vld [tilespmem:s11+$0x9450]  }
0xf5: {  	v17 =	vld [tilespmem:s11+$0x9460]  }
0xf6: {  	v18 =	vld [tilespmem:s11+$0x9470]  }
0xf7: {  	v19 =	vld [tilespmem:s11+$0x9800]  }
0xf8: {  	v20 =	vld [tilespmem:s11+$0x9810]  }
0xf9: {  	v21 =	vld [tilespmem:s11+$0x9820]  }
0xfa: {  	v22 =	vld [tilespmem:s11+$0x9830]  }
0xfb: {  	v23 =	vld [tilespmem:s11+$0x9840]  }
0xfc: {  	v24 =	vld [tilespmem:s11+$0x9850]  }
0xfd: {  	v25 =	vld [tilespmem:s11+$0x9860]  }
0xfe: {  	v26 =	vld [tilespmem:s11+$0x9870]  }
0xff: {  	v27 =	vld [tilespmem:s11+$0x9C00]  }
0x100: {  	v28 =	vld [tilespmem:s11+$0x9C10]  }
0x101: {  	v29 =	vld [tilespmem:s11+$0x9C20]  }
0x102: {  	v30 =	vld [tilespmem:s11+$0x9C30]  }
0x103: {  	v31 =	vld [tilespmem:s11+$0x9C40]  }
0x104: {  	v32 =	vld [tilespmem:s11+$0x9C50]  }
0x105: {  	v33 =	vld [tilespmem:s11+$0x9C60]  }
0x106: {  	[tilespmem:s11+$0x1C70] =	vst.add.f32.msk $0xffff, v3  }
0x107: {  	v3 =	vld [tilespmem:s11+$0x9040]  }
0x108: {  	[tilespmem:s11+$0x1000] =	vst.add.f32.msk $0xffff, v4  }
0x109: {  	[tilespmem:s11+$0x1010] =	vst.add.f32.msk $0xffff, v5  }
0x10a: {  	[tilespmem:s11+$0x1020] =	vst.add.f32.msk $0xffff, v6  }
0x10b: {  	[tilespmem:s11+$0x1030] =	vst.add.f32.msk $0xffff, v7  }
0x10c: {  	[tilespmem:s11+$0x1050] =	vst.add.f32.msk $0xffff, v8  }
0x10d: {  	[tilespmem:s11+$0x1060] =	vst.add.f32.msk $0xffff, v9  }
0x10e: {  	[tilespmem:s11+$0x1070] =	vst.add.f32.msk $0xffff, v10  }
0x10f: {  	[tilespmem:s11+$0x1400] =	vst.add.f32.msk $0xffff, v11  }
0x110: {  	[tilespmem:s11+$0x1410] =	vst.add.f32.msk $0xffff, v12  }
0x111: {  	[tilespmem:s11+$0x1420] =	vst.add.f32.msk $0xffff, v13  }
0x112: {  	[tilespmem:s11+$0x1430] =	vst.add.f32.msk $0xffff, v14  }
0x113: {  	[tilespmem:s11+$0x1440] =	vst.add.f32.msk $0xffff, v15  }
0x114: {  	[tilespmem:s11+$0x1450] =	vst.add.f32.msk $0xffff, v16  }
0x115: {  	[tilespmem:s11+$0x1460] =	vst.add.f32.msk $0xffff, v17  }
0x116: {  	[tilespmem:s11+$0x1470] =	vst.add.f32.msk $0xffff, v18  }
0x117: {  	[tilespmem:s11+$0x1800] =	vst.add.f32.msk $0xffff, v19  }
0x118: {  	[tilespmem:s11+$0x1810] =	vst.add.f32.msk $0xffff, v20  }
0x119: {  	[tilespmem:s11+$0x1820] =	vst.add.f32.msk $0xffff, v21  }
0x11a: {  	[tilespmem:s11+$0x1830] =	vst.add.f32.msk $0xffff, v22  }
0x11b: {  	[tilespmem:s11+$0x1840] =	vst.add.f32.msk $0xffff, v23  }
0x11c: {  	[tilespmem:s11+$0x1850] =	vst.add.f32.msk $0xffff, v24  }
0x11d: {  	[tilespmem:s11+$0x1860] =	vst.add.f32.msk $0xffff, v25  }
0x11e: {  	[tilespmem:s11+$0x1870] =	vst.add.f32.msk $0xffff, v26  }
0x11f: {  	[tilespmem:s11+$0x1C00] =	vst.add.f32.msk $0xffff, v27  }
0x120: {  	[tilespmem:s11+$0x1C10] =	vst.add.f32.msk $0xffff, v28  }
0x121: {  	[tilespmem:s11+$0x1C20] =	vst.add.f32.msk $0xffff, v29  }
0x122: {  	[tilespmem:s11+$0x1C30] =	vst.add.f32.msk $0xffff, v30  }
0x123: {  	[tilespmem:s11+$0x1C40] =	vst.add.f32.msk $0xffff, v31  }
0x124: {  	s9 =	sadd.s32 s7, s8;
	s6 =	sadd.s32 $0x1, s6;
	[tilespmem:s11+$0x1C50] =	vst.add.f32.msk $0xffff, v32  }
0x125: {  	s12 =	rddreg [dreg:$0x3];
	s2 =	sshll.u32 s9, $0x6;
	p0 =	sne.s32 s6, $0x40;
	[tilespmem:s11+$0x1C60] =	vst.add.f32.msk $0xffff, v33  }
.Ltmp1:
0x126: {  	s2 =	sadd.s32 s12, s2;
	[tilespmem:s11+$0x1040] =	vst.add.f32.msk $0xffff, v3;
	(pc) =	sbr.rel @p0 .LBB2_2-.Ltmp1, $4  }
0x127: {  	[hbm4b:s2+s5] =	stream.linear.scatter [tilespmem:s15], [sflag:$0x2], $0x8000, $0x38;
	[tilespmem:$0x19000] =	vst v63  }
0x128: {  	_ =	swait.ge [sflag:s13], $0x8000  }
0x129: {  	[sflag:s13] =	ssyncset.done $0x0  }
0x12a: {  	[sflag:s13] =	ssyncadd.s32 $0xFFFF8000  }
0x12b: {  	s4 =	rddreg [dreg:$0xb]  }
0x12c: {  	s2 =	rddreg [dreg:$0x9];
	s4 =	sadd.s32 $0x1, s4  }
0x12d: {  	p0 =	sne.s32 s4, s2  }
.Ltmp2:
0x12e: {  	_ = 	snop;
	(pc) =	sbr.rel @p0 .LBB2_1-.Ltmp2, $1  }
0x12f: {  	_ =	sdelay $0x3  }
0x130: {  	_ =	sfence.sel $0x180000  }
0x131: {  	[bflag:$0x0] =	sbarrier.arrive $0xFFFF  }
0x132: {  	_ =	strace $0x90000047  }
0x133: {  	s0 =	stileid.u32;
	[bflag:$0x2] =	sbarrier.arrive $0xFFFF  }
0x134: {  	p0 =	sne.s32 s0, $0x0;
	s0 =	rddreg [dreg:$0x5]  }
0x135: {  	s0 =	sadd.s32 @!p0 $0x100000, s0  }
0x136: {  	[sflag:s0] =	ssyncadd.tile.s32 @!p0 $0x1;
	_ =	shalt  }
.Lfunc_end2:
_tile_overlayer_lowered:
.L_overlay_start_2:
0x137: {  	(tag) =	ssettag $0x2  }
0x138: {  	s0 =	rddreg [dreg:$0x0];
	s2 =	stileid.u32  }
0x139: {  	s1 =	rddreg [dreg:$0x1];
	p0 =	sne.s32 s2, $0x0  }
0x13a: {  	s3 =	rddreg [dreg:$0x2];
	[bflag:$0x3] =	sbarrier.arrive $0xFFFF;
	s2 =	simm.s32 @!p0 $0x1C02  }
0x13b: {  	[timem:s3], [sflag:s2] =	dma.local @!p0 [hbm:s0], s1  }
0x13c: {  	s0 =	simm.s32 @!p0 $0x2  }
0x13d: {  	_ =	swait.ge @!p0 [sflag:s0], s1  }
0x13e: {  	s1 =	ssub.s32 @!p0 $0x0, s1;
	[sflag:s0] =	ssyncset.done @!p0 $0x0  }
0x13f: {  	[sflag:s0] =	ssyncadd.s32 @!p0 s1  }
0x140: {  	[bflag:$0x3] =	sbarrier.arrive $0xFFFF  }
0x141: {  	_ =	shalt  }

</sc_bundles>
